<compile_context>
chip_gen: v7x
topology: tpu7x:2x2x1
jax: 0.10.2.dev20260603
libtpu: 0.0.44.dev20260713+nightly
codegen_flags: <defaults>
</compile_context>

<pallas_src>
import functools

import jax
import jax.numpy as jnp
from jax import lax
from jax.experimental import pallas as pl
from jax.experimental.pallas import tpu as pltpu
from jax.experimental.pallas import tpu_sc as plsc

_EPS = 0.1
_B, _H, _D = 8, 512, 512
_N = _B * _H * _D

_SC_B0 = 6
_SC_N = (_B - _SC_B0) * _H * _D
_NC, _NS = 2, 16
_NW = _NC * _NS
_PER_W = _SC_N // _NW
_LANES = 16
_ROWS_PER_TILE = _PER_W // _D
_TILES_PER_B = _H // _ROWS_PER_TILE
_NCHUNK = 4
_ROWS_PER_CHUNK = _ROWS_PER_TILE // _NCHUNK


def _reduce_chunk(buf, accs):
    def body(i, carry):
        a0, a1, a2, a3 = carry
        for u in range(0, _D // _LANES, 4):
            a0 = a0 + buf[i, pl.ds((u + 0) * _LANES, _LANES)]
            a1 = a1 + buf[i, pl.ds((u + 1) * _LANES, _LANES)]
            a2 = a2 + buf[i, pl.ds((u + 2) * _LANES, _LANES)]
            a3 = a3 + buf[i, pl.ds((u + 3) * _LANES, _LANES)]
        return (a0, a1, a2, a3)

    return lax.fori_loop(0, _ROWS_PER_CHUNK, body, accs)


def _sc_partial_sums(gt):
    mesh = plsc.VectorSubcoreMesh(core_axis_name="c", subcore_axis_name="s")

    @functools.partial(
        pl.kernel,
        out_type=jax.ShapeDtypeStruct((_NW, _LANES), jnp.int32),
        mesh=mesh,
        scratch_types=[
            pltpu.VMEM((_NCHUNK, _ROWS_PER_CHUNK, _D), jnp.int32),
            pltpu.VMEM((_LANES,), jnp.int32),
            pltpu.SemaphoreType.DMA,
            pltpu.SemaphoreType.DMA,
            pltpu.SemaphoreType.DMA,
            pltpu.SemaphoreType.DMA,
        ],
    )
    def k(x_hbm, out_hbm, buf, stage, sem0, sem1, sem2, sem3):
        c = lax.axis_index("c")
        s = lax.axis_index("s")
        wid = s * _NC + c
        b = _SC_B0 + wid // _TILES_PER_B
        r0 = (wid % _TILES_PER_B) * _ROWS_PER_TILE

        sems = (sem0, sem1, sem2, sem3)
        zero = jnp.zeros((_LANES,), jnp.int32)
        accs = (zero, zero, zero, zero)

        copies = [
            pltpu.async_copy(
                x_hbm.at[b, pl.ds(r0 + j * _ROWS_PER_CHUNK,
                                  _ROWS_PER_CHUNK)],
                buf.at[j], sems[j])
            for j in range(_NCHUNK)
        ]
        for j in range(_NCHUNK):
            copies[j].wait()
            accs = _reduce_chunk(buf.at[j], accs)

        stage[...] = (accs[0] + accs[1]) + (accs[2] + accs[3])
        pltpu.sync_copy(stage, out_hbm.at[wid])

    return k(gt)


def _tc_sum_kernel(x_ref, out_ref, acc_ref):
    i = pl.program_id(0)

    @pl.when(i == 0)
    def _():
        acc_ref[...] = jnp.zeros_like(acc_ref)

    acc_ref[...] += jnp.sum(
        x_ref[...], axis=(0, 1), dtype=jnp.int32).reshape(1, _D)

    @pl.when(i == pl.num_programs(0) - 1)
    def _():
        out_ref[...] = jnp.sum(
            acc_ref[...], dtype=jnp.int32).reshape(1, 1)


def _tc_partial_sum(gt):
    return pl.pallas_call(
        _tc_sum_kernel,
        grid=(_SC_B0,),
        in_specs=[pl.BlockSpec((1, _H, _D), lambda i: (i, 0, 0))],
        out_specs=pl.BlockSpec((1, 1), lambda i: (0, 0)),
        out_shape=jax.ShapeDtypeStruct((1, 1), jnp.int32),
        scratch_shapes=[pltpu.VMEM((1, _D), jnp.int32)],
    )(gt)


def _combine_kernel(parts_ref, tcsum_ref, out_ref):
    count1 = jnp.sum(parts_ref[...], dtype=jnp.int32) + tcsum_ref[0, 0]
    c1 = count1.astype(jnp.float32)
    c0 = (jnp.int32(_N) - count1).astype(jnp.float32)
    col = lax.broadcasted_iota(jnp.int32, (2, 2), 1)
    row = lax.broadcasted_iota(jnp.int32, (2, 2), 0)
    cnt = jnp.where(col == 0, c0, c1)
    fac = jnp.where(row == 0, jnp.float32(1.0 - _EPS),
                    jnp.float32(1.0 + _EPS))
    out_ref[...] = (cnt * fac).astype(jnp.int32)


def _combine(sc_partials, tc_sum):
    return pl.pallas_call(
        _combine_kernel,
        out_shape=jax.ShapeDtypeStruct((2, 2), jnp.int32),
    )(sc_partials, tc_sum)


def kernel(gt):
    sc_partials = _sc_partial_sums(gt)
    tc_sum = _tc_partial_sum(gt)
    return _combine(sc_partials, tc_sum)

# --- scband reference (transcript-rebuilt; emitter-appended) ---
"""Pipeline reference for scband-individual-bound-generator-37675453120884 (READ-ONLY COPY).

The authoritative reference and input builder live on the scoring server;
editing this copy changes nothing except your own understanding.
"""

import jax, jax.numpy as jnp
import numpy as np

EPS = 0.1
NUM_CLASSES = 2


def setup_inputs(seed: int = 0) -> dict:
    key = jax.random.key(seed)
    # gt: int label map [b, h, d] with values in [0, num_classes)
    gt = jax.random.randint(key, (8, 512, 512), 0, NUM_CLASSES, dtype=jnp.int32)
    return {"gt": gt}


def class2one_hot(gt, num_classes):
    # gt: [b, h, d] int -> one-hot [b, c, h, d]
    oh = jax.nn.one_hot(gt, num_classes, dtype=jnp.float32)  # [b, h, d, c]
    return jnp.moveaxis(oh, -1, 1)  # [b, c, h, d]


def reference(gt):
    gt_onehot = class2one_hot(gt, NUM_CLASSES)  # [b, c, h, d]
    # per-class voxel counts (histogram over classes)
    _size = jnp.einsum('bchd->c', gt_onehot)
    lowbound = (_size.astype(jnp.float32) * (1.0 - EPS)).astype(jnp.int32)
    highbound = (_size.astype(jnp.float32) * (1.0 + EPS)).astype(jnp.int32)
    return jnp.stack((lowbound, highbound))

if __name__ == "__main__":
    import jax
    _d = setup_inputs()
    print(jax.jit(kernel)(*tuple(_d.values())))

</pallas_src>

<mosaic_0001>
#map = affine_map<(d0, d1) -> (0, 0, 0)>
#map1 = affine_map<(d0, d1) -> (0, 0)>
module attributes {stable_mosaic.version = 14 : i64} {
  func.func @k(%arg0: i32, %arg1: i32, %arg2: memref<8x512x512xi32, #tpu.memory_space<hbm>>, %arg3: memref<32x16xi32, #tpu.memory_space<hbm>>, %arg4: memref<4x8x512xi32, #tpu.memory_space<vmem>>, %arg5: memref<16xi32, #tpu.memory_space<vmem>>, %arg6: memref<!tpu.dma_semaphore, #tpu.memory_space<semaphore_mem>>, %arg7: memref<!tpu.dma_semaphore, #tpu.memory_space<semaphore_mem>>, %arg8: memref<!tpu.dma_semaphore, #tpu.memory_space<semaphore_mem>>, %arg9: memref<!tpu.dma_semaphore, #tpu.memory_space<semaphore_mem>>) attributes {dimension_semantics = [#tpu.dimension_semantics<core_parallel>, #tpu.dimension_semantics<subcore_parallel>], iteration_bounds = array<i64: 2, 16>, scalar_prefetch = 0 : i64, scratch_operands = 6 : i64, tpu.core_type = #tpu.core_type<sc_vector_subcore>, window_params = [{transform_indices = #map}, {transform_indices = #map1}]} {
    %mul3A = arith.constant 2 : i32
    %mul3A_0 = arith.muli %arg1, %mul3A : i32
    %add3A = arith.addi %mul3A_0, %arg0 : i32
    %jit3A = arith.constant 16 : i32
    %div3A = arith.divsi %add3A, %jit3A : i32
    %sign3A = arith.constant 0 : i32
    %sign3A_1 = arith.cmpi sgt, %add3A, %sign3A : i32
    %sign3A_2 = arith.extui %sign3A_1 : i1 to i32
    %sign3A_3 = arith.constant 0 : i32
    %sign3A_4 = arith.cmpi slt, %add3A, %sign3A_3 : i32
    %sign3A_5 = arith.extui %sign3A_4 : i1 to i32
    %sign3A_6 = arith.subi %sign3A_2, %sign3A_5 : i32
    %sign3A_7 = arith.constant 0 : i32
    %sign3A_8 = arith.cmpi sgt, %jit3A, %sign3A_7 : i32
    %sign3A_9 = arith.extui %sign3A_8 : i1 to i32
    %sign3A_10 = arith.constant 0 : i32
    %sign3A_11 = arith.cmpi slt, %jit3A, %sign3A_10 : i32
    %sign3A_12 = arith.extui %sign3A_11 : i1 to i32
    %sign3A_13 = arith.subi %sign3A_9, %sign3A_12 : i32
    %ne3A = arith.cmpi ne, %sign3A_6, %sign3A_13 : i32
    %rem3A = arith.remsi %add3A, %jit3A : i32
    %ne3A_14 = arith.constant 0 : i32
    %ne3A_15 = arith.cmpi ne, %rem3A, %ne3A_14 : i32
    %and3A = arith.andi %ne3A, %ne3A_15 : i1
    %sub3A = arith.constant 1 : i32
    %sub3A_16 = arith.subi %div3A, %sub3A : i32
    %select_n3A = arith.select %and3A, %sub3A_16, %div3A : i32
    %add3A_17 = arith.constant 6 : i32
    %add3A_18 = arith.addi %add3A_17, %select_n3A : i32
    %jit3A_19 = arith.constant 16 : i32
    %eq3A = arith.constant 0 : i32
    %eq3A_20 = arith.cmpi eq, %jit3A_19, %eq3A : i32
    %jit3A_21 = arith.constant 1 : i32
    %select_n3A_22 = arith.select %eq3A_20, %jit3A_21, %jit3A_19 : i32
    %rem3A_23 = arith.remsi %add3A, %select_n3A_22 : i32
    %ne3A_24 = arith.constant 0 : i32
    %ne3A_25 = arith.cmpi ne, %rem3A_23, %ne3A_24 : i32
    %lt3A = arith.constant 0 : i32
    %lt3A_26 = arith.cmpi slt, %rem3A_23, %lt3A : i32
    %lt3A_27 = arith.constant 0 : i32
    %lt3A_28 = arith.cmpi slt, %select_n3A_22, %lt3A_27 : i32
    %ne3A_29 = arith.xori %lt3A_26, %lt3A_28 : i1
    %and3A_30 = arith.andi %ne3A_29, %ne3A_25 : i1
    %add3A_31 = arith.addi %rem3A_23, %select_n3A_22 : i32
    %select_n3A_32 = arith.select %and3A_30, %add3A_31, %rem3A_23 : i32
    %mul3A_33 = arith.constant 32 : i32
    %mul3A_34 = arith.muli %select_n3A_32, %mul3A_33 : i32
    %broadcast_in_dim3A = arith.constant 0 : i32
    %broadcast_in_dim3A_35 = vector.broadcast %broadcast_in_dim3A : i32 to vector<16xi32>
    %add3A_36 = arith.constant 0 : i32
    %add3A_37 = arith.addi %mul3A_34, %add3A_36 : i32
    %dma_start3A = arith.constant 0 : i32
    %dma_start3A_38 = arith.constant 0 : i32
    %dma_start3A_39 = arith.constant 0 : i32
    %dma_start3A_40 = tpu.memref_slice %arg4[%dma_start3A, %dma_start3A_38, %dma_start3A_39] : memref<4x8x512xi32, #tpu.memory_space<vmem>> -> memref<1x8x512xi32, #tpu.memory_space<vmem>>
    %dma_start3A_41 = tpu.memref_squeeze %dma_start3A_40 : memref<1x8x512xi32, #tpu.memory_space<vmem>> -> memref<8x512xi32, #tpu.memory_space<vmem>>
    %dma_start3A_42 = arith.constant 0 : i32
    %dma_start3A_43 = tpu.memref_slice %arg2[%add3A_18, %add3A_37, %dma_start3A_42] : memref<8x512x512xi32, #tpu.memory_space<hbm>> -> memref<1x8x512xi32, #tpu.memory_space<hbm>>
    %dma_start3A_44 = tpu.memref_squeeze %dma_start3A_43 : memref<1x8x512xi32, #tpu.memory_space<hbm>> -> memref<8x512xi32, #tpu.memory_space<hbm>>
    %dma_start3A_45 = arith.constant 0 : i32
    %dma_start3A_46 = arith.constant 0 : i32
    %dma_start3A_47 = tpu.memref_slice %arg4[%dma_start3A, %dma_start3A_45, %dma_start3A_46] : memref<4x8x512xi32, #tpu.memory_space<vmem>> -> memref<1x8x512xi32, #tpu.memory_space<vmem>>
    %dma_start3A_48 = tpu.memref_squeeze %dma_start3A_47 : memref<1x8x512xi32, #tpu.memory_space<vmem>> -> memref<8x512xi32, #tpu.memory_space<vmem>>
    %dma_start3A_49 = arith.constant 0 : i32
    %dma_start3A_50 = tpu.memref_slice %arg2[%add3A_18, %add3A_37, %dma_start3A_49] : memref<8x512x512xi32, #tpu.memory_space<hbm>> -> memref<1x8x512xi32, #tpu.memory_space<hbm>>
    %dma_start3A_51 = tpu.memref_squeeze %dma_start3A_50 : memref<1x8x512xi32, #tpu.memory_space<hbm>> -> memref<8x512xi32, #tpu.memory_space<hbm>>
    tpu.enqueue_dma source(%dma_start3A_51 : memref<8x512xi32, #tpu.memory_space<hbm>>) target(%dma_start3A_48 : memref<8x512xi32, #tpu.memory_space<vmem>>) target_semaphore(%arg6 : memref<!tpu.dma_semaphore, #tpu.memory_space<semaphore_mem>>)
    %add3A_52 = arith.constant 8 : i32
    %add3A_53 = arith.addi %mul3A_34, %add3A_52 : i32
    %dma_start3A_54 = arith.constant 1 : i32
    %dma_start3A_55 = arith.constant 0 : i32
    %dma_start3A_56 = arith.constant 0 : i32
    %dma_start3A_57 = tpu.memref_slice %arg4[%dma_start3A_54, %dma_start3A_55, %dma_start3A_56] : memref<4x8x512xi32, #tpu.memory_space<vmem>> -> memref<1x8x512xi32, #tpu.memory_space<vmem>>
    %dma_start3A_58 = tpu.memref_squeeze %dma_start3A_57 : memref<1x8x512xi32, #tpu.memory_space<vmem>> -> memref<8x512xi32, #tpu.memory_space<vmem>>
    %dma_start3A_59 = arith.constant 0 : i32
    %dma_start3A_60 = tpu.memref_slice %arg2[%add3A_18, %add3A_53, %dma_start3A_59] : memref<8x512x512xi32, #tpu.memory_space<hbm>> -> memref<1x8x512xi32, #tpu.memory_space<hbm>>
    %dma_start3A_61 = tpu.memref_squeeze %dma_start3A_60 : memref<1x8x512xi32, #tpu.memory_space<hbm>> -> memref<8x512xi32, #tpu.memory_space<hbm>>
    %dma_start3A_62 = arith.constant 0 : i32
    %dma_start3A_63 = arith.constant 0 : i32
    %dma_start3A_64 = tpu.memref_slice %arg4[%dma_start3A_54, %dma_start3A_62, %dma_start3A_63] : memref<4x8x512xi32, #tpu.memory_space<vmem>> -> memref<1x8x512xi32, #tpu.memory_space<vmem>>
    %dma_start3A_65 = tpu.memref_squeeze %dma_start3A_64 : memref<1x8x512xi32, #tpu.memory_space<vmem>> -> memref<8x512xi32, #tpu.memory_space<vmem>>
    %dma_start3A_66 = arith.constant 0 : i32
    %dma_start3A_67 = tpu.memref_slice %arg2[%add3A_18, %add3A_53, %dma_start3A_66] : memref<8x512x512xi32, #tpu.memory_space<hbm>> -> memref<1x8x512xi32, #tpu.memory_space<hbm>>
    %dma_start3A_68 = tpu.memref_squeeze %dma_start3A_67 : memref<1x8x512xi32, #tpu.memory_space<hbm>> -> memref<8x512xi32, #tpu.memory_space<hbm>>
    tpu.enqueue_dma source(%dma_start3A_68 : memref<8x512xi32, #tpu.memory_space<hbm>>) target(%dma_start3A_65 : memref<8x512xi32, #tpu.memory_space<vmem>>) target_semaphore(%arg7 : memref<!tpu.dma_semaphore, #tpu.memory_space<semaphore_mem>>)
    %add3A_69 = arith.constant 16 : i32
    %add3A_70 = arith.addi %mul3A_34, %add3A_69 : i32
    %dma_start3A_71 = arith.constant 2 : i32
    %dma_start3A_72 = arith.constant 0 : i32
    %dma_start3A_73 = arith.constant 0 : i32
    %dma_start3A_74 = tpu.memref_slice %arg4[%dma_start3A_71, %dma_start3A_72, %dma_start3A_73] : memref<4x8x512xi32, #tpu.memory_space<vmem>> -> memref<1x8x512xi32, #tpu.memory_space<vmem>>
    %dma_start3A_75 = tpu.memref_squeeze %dma_start3A_74 : memref<1x8x512xi32, #tpu.memory_space<vmem>> -> memref<8x512xi32, #tpu.memory_space<vmem>>
    %dma_start3A_76 = arith.constant 0 : i32
    %dma_start3A_77 = tpu.memref_slice %arg2[%add3A_18, %add3A_70, %dma_start3A_76] : memref<8x512x512xi32, #tpu.memory_space<hbm>> -> memref<1x8x512xi32, #tpu.memory_space<hbm>>
    %dma_start3A_78 = tpu.memref_squeeze %dma_start3A_77 : memref<1x8x512xi32, #tpu.memory_space<hbm>> -> memref<8x512xi32, #tpu.memory_space<hbm>>
    %dma_start3A_79 = arith.constant 0 : i32
    %dma_start3A_80 = arith.constant 0 : i32
    %dma_start3A_81 = tpu.memref_slice %arg4[%dma_start3A_71, %dma_start3A_79, %dma_start3A_80] : memref<4x8x512xi32, #tpu.memory_space<vmem>> -> memref<1x8x512xi32, #tpu.memory_space<vmem>>
    %dma_start3A_82 = tpu.memref_squeeze %dma_start3A_81 : memref<1x8x512xi32, #tpu.memory_space<vmem>> -> memref<8x512xi32, #tpu.memory_space<vmem>>
    %dma_start3A_83 = arith.constant 0 : i32
    %dma_start3A_84 = tpu.memref_slice %arg2[%add3A_18, %add3A_70, %dma_start3A_83] : memref<8x512x512xi32, #tpu.memory_space<hbm>> -> memref<1x8x512xi32, #tpu.memory_space<hbm>>
    %dma_start3A_85 = tpu.memref_squeeze %dma_start3A_84 : memref<1x8x512xi32, #tpu.memory_space<hbm>> -> memref<8x512xi32, #tpu.memory_space<hbm>>
    tpu.enqueue_dma source(%dma_start3A_85 : memref<8x512xi32, #tpu.memory_space<hbm>>) target(%dma_start3A_82 : memref<8x512xi32, #tpu.memory_space<vmem>>) target_semaphore(%arg8 : memref<!tpu.dma_semaphore, #tpu.memory_space<semaphore_mem>>)
    %add3A_86 = arith.constant 24 : i32
    %add3A_87 = arith.addi %mul3A_34, %add3A_86 : i32
    %dma_start3A_88 = arith.constant 3 : i32
    %dma_start3A_89 = arith.constant 0 : i32
    %dma_start3A_90 = arith.constant 0 : i32
    %dma_start3A_91 = tpu.memref_slice %arg4[%dma_start3A_88, %dma_start3A_89, %dma_start3A_90] : memref<4x8x512xi32, #tpu.memory_space<vmem>> -> memref<1x8x512xi32, #tpu.memory_space<vmem>>
    %dma_start3A_92 = tpu.memref_squeeze %dma_start3A_91 : memref<1x8x512xi32, #tpu.memory_space<vmem>> -> memref<8x512xi32, #tpu.memory_space<vmem>>
    %dma_start3A_93 = arith.constant 0 : i32
    %dma_start3A_94 = tpu.memref_slice %arg2[%add3A_18, %add3A_87, %dma_start3A_93] : memref<8x512x512xi32, #tpu.memory_space<hbm>> -> memref<1x8x512xi32, #tpu.memory_space<hbm>>
    %dma_start3A_95 = tpu.memref_squeeze %dma_start3A_94 : memref<1x8x512xi32, #tpu.memory_space<hbm>> -> memref<8x512xi32, #tpu.memory_space<hbm>>
    %dma_start3A_96 = arith.constant 0 : i32
    %dma_start3A_97 = arith.constant 0 : i32
    %dma_start3A_98 = tpu.memref_slice %arg4[%dma_start3A_88, %dma_start3A_96, %dma_start3A_97] : memref<4x8x512xi32, #tpu.memory_space<vmem>> -> memref<1x8x512xi32, #tpu.memory_space<vmem>>
    %dma_start3A_99 = tpu.memref_squeeze %dma_start3A_98 : memref<1x8x512xi32, #tpu.memory_space<vmem>> -> memref<8x512xi32, #tpu.memory_space<vmem>>
    %dma_start3A_100 = arith.constant 0 : i32
    %dma_start3A_101 = tpu.memref_slice %arg2[%add3A_18, %add3A_87, %dma_start3A_100] : memref<8x512x512xi32, #tpu.memory_space<hbm>> -> memref<1x8x512xi32, #tpu.memory_space<hbm>>
    %dma_start3A_102 = tpu.memref_squeeze %dma_start3A_101 : memref<1x8x512xi32, #tpu.memory_space<hbm>> -> memref<8x512xi32, #tpu.memory_space<hbm>>
    tpu.enqueue_dma source(%dma_start3A_102 : memref<8x512xi32, #tpu.memory_space<hbm>>) target(%dma_start3A_99 : memref<8x512xi32, #tpu.memory_space<vmem>>) target_semaphore(%arg9 : memref<!tpu.dma_semaphore, #tpu.memory_space<semaphore_mem>>)
    %dma_wait3A = arith.constant 0 : i32
    %dma_wait3A_103 = arith.constant 0 : i32
    %dma_wait3A_104 = arith.constant 0 : i32
    %dma_wait3A_105 = tpu.memref_slice %arg4[%dma_wait3A, %dma_wait3A_103, %dma_wait3A_104] : memref<4x8x512xi32, #tpu.memory_space<vmem>> -> memref<1x8x512xi32, #tpu.memory_space<vmem>>
    %dma_wait3A_106 = tpu.memref_squeeze %dma_wait3A_105 : memref<1x8x512xi32, #tpu.memory_space<vmem>> -> memref<8x512xi32, #tpu.memory_space<vmem>>
    %dma_wait3A_107 = arith.constant 0 : i32
    %dma_wait3A_108 = tpu.memref_slice %arg2[%add3A_18, %add3A_37, %dma_wait3A_107] : memref<8x512x512xi32, #tpu.memory_space<hbm>> -> memref<1x8x512xi32, #tpu.memory_space<hbm>>
    %dma_wait3A_109 = tpu.memref_squeeze %dma_wait3A_108 : memref<1x8x512xi32, #tpu.memory_space<hbm>> -> memref<8x512xi32, #tpu.memory_space<hbm>>
    %dma_wait3A_110 = arith.constant 0 : i32
    %dma_wait3A_111 = arith.constant 0 : i32
    %dma_wait3A_112 = tpu.memref_slice %arg4[%dma_wait3A, %dma_wait3A_110, %dma_wait3A_111] : memref<4x8x512xi32, #tpu.memory_space<vmem>> -> memref<1x8x512xi32, #tpu.memory_space<vmem>>
    %dma_wait3A_113 = tpu.memref_squeeze %dma_wait3A_112 : memref<1x8x512xi32, #tpu.memory_space<vmem>> -> memref<8x512xi32, #tpu.memory_space<vmem>>
    %dma_wait3A_114 = arith.constant 0 : i32
    %dma_wait3A_115 = tpu.memref_slice %arg2[%add3A_18, %add3A_37, %dma_wait3A_114] : memref<8x512x512xi32, #tpu.memory_space<hbm>> -> memref<1x8x512xi32, #tpu.memory_space<hbm>>
    %dma_wait3A_116 = tpu.memref_squeeze %dma_wait3A_115 : memref<1x8x512xi32, #tpu.memory_space<hbm>> -> memref<8x512xi32, #tpu.memory_space<hbm>>
    tpu.wait_dma2 semaphore(%arg6 : memref<!tpu.dma_semaphore, #tpu.memory_space<semaphore_mem>>) src(%dma_wait3A_116 : memref<8x512xi32, #tpu.memory_space<hbm>>) dst(%dma_wait3A_113 : memref<8x512xi32, #tpu.memory_space<vmem>>)
    %scan3A = arith.constant 0 : i32
    %scan3A_117 = arith.constant 0 : i32
    %scan3A_118 = arith.constant 8 : i32
    %scan3A_119 = arith.addi %scan3A_117, %scan3A_118 : i32
    %scan3A_120 = arith.constant 1 : i32
    %scan3A_121:4 = scf.for %scan3A_195 = %scan3A_117 to %scan3A_119 step %scan3A_120 iter_args(%scan3A_196 = %broadcast_in_dim3A_35, %scan3A_197 = %broadcast_in_dim3A_35, %scan3A_198 = %broadcast_in_dim3A_35, %scan3A_199 = %broadcast_in_dim3A_35) -> (vector<16xi32>, vector<16xi32>, vector<16xi32>, vector<16xi32>)  : i32 {
      %get3A = arith.constant 0 : i32
      %get3A_200 = arith.constant 0 : i32
      %get3A_201 = tpu.memref_slice %arg4[%scan3A, %get3A, %get3A_200] : memref<4x8x512xi32, #tpu.memory_space<vmem>> -> memref<1x8x512xi32, #tpu.memory_space<vmem>>
      %get3A_202 = tpu.memref_squeeze %get3A_201 : memref<1x8x512xi32, #tpu.memory_space<vmem>> -> memref<8x512xi32, #tpu.memory_space<vmem>>
      %get3A_203 = arith.index_cast %scan3A_195 : i32 to index
      %get3A_204 = arith.constant 0 : index
      %get3A_205 = tpu.vector_load %get3A_202[%get3A_203, %get3A_204] {strides = array<i32>} : memref<8x512xi32, #tpu.memory_space<vmem>>, vector<1x16xi32>,
      %get3A_206 = vector.shape_cast %get3A_205 : vector<1x16xi32> to vector<16xi32>
      %add3A_207 = arith.addi %scan3A_196, %get3A_206 : vector<16xi32>
      %get3A_208 = arith.constant 0 : i32
      %get3A_209 = arith.constant 0 : i32
      %get3A_210 = tpu.memref_slice %arg4[%scan3A, %get3A_208, %get3A_209] : memref<4x8x512xi32, #tpu.memory_space<vmem>> -> memref<1x8x512xi32, #tpu.memory_space<vmem>>
      %get3A_211 = tpu.memref_squeeze %get3A_210 : memref<1x8x512xi32, #tpu.memory_space<vmem>> -> memref<8x512xi32, #tpu.memory_space<vmem>>
      %get3A_212 = arith.index_cast %scan3A_195 : i32 to index
      %get3A_213 = arith.constant 16 : index
      %get3A_214 = tpu.vector_load %get3A_211[%get3A_212, %get3A_213] {strides = array<i32>} : memref<8x512xi32, #tpu.memory_space<vmem>>, vector<1x16xi32>,
      %get3A_215 = vector.shape_cast %get3A_214 : vector<1x16xi32> to vector<16xi32>
      %add3A_216 = arith.addi %scan3A_197, %get3A_215 : vector<16xi32>
      %get3A_217 = arith.constant 0 : i32
      %get3A_218 = arith.constant 0 : i32
      %get3A_219 = tpu.memref_slice %arg4[%scan3A, %get3A_217, %get3A_218] : memref<4x8x512xi32, #tpu.memory_space<vmem>> -> memref<1x8x512xi32, #tpu.memory_space<vmem>>
      %get3A_220 = tpu.memref_squeeze %get3A_219 : memref<1x8x512xi32, #tpu.memory_space<vmem>> -> memref<8x512xi32, #tpu.memory_space<vmem>>
      %get3A_221 = arith.index_cast %scan3A_195 : i32 to index
      %get3A_222 = arith.constant 32 : index
      %get3A_223 = tpu.vector_load %get3A_220[%get3A_221, %get3A_222] {strides = array<i32>} : memref<8x512xi32, #tpu.memory_space<vmem>>, vector<1x16xi32>,
      %get3A_224 = vector.shape_cast %get3A_223 : vector<1x16xi32> to vector<16xi32>
      %add3A_225 = arith.addi %scan3A_198, %get3A_224 : vector<16xi32>
      %get3A_226 = arith.constant 0 : i32
      %get3A_227 = arith.constant 0 : i32
      %get3A_228 = tpu.memref_slice %arg4[%scan3A, %get3A_226, %get3A_227] : memref<4x8x512xi32, #tpu.memory_space<vmem>> -> memref<1x8x512xi32, #tpu.memory_space<vmem>>
      %get3A_229 = tpu.memref_squeeze %get3A_228 : memref<1x8x512xi32, #tpu.memory_space<vmem>> -> memref<8x512xi32, #tpu.memory_space<vmem>>
      %get3A_230 = arith.index_cast %scan3A_195 : i32 to index
      %get3A_231 = arith.constant 48 : index
      %get3A_232 = tpu.vector_load %get3A_229[%get3A_230, %get3A_231] {strides = array<i32>} : memref<8x512xi32, #tpu.memory_space<vmem>>, vector<1x16xi32>,
      %get3A_233 = vector.shape_cast %get3A_232 : vector<1x16xi32> to vector<16xi32>
      %add3A_234 = arith.addi %scan3A_199, %get3A_233 : vector<16xi32>
      %get3A_235 = arith.constant 0 : i32
      %get3A_236 = arith.constant 0 : i32
      %get3A_237 = tpu.memref_slice %arg4[%scan3A, %get3A_235, %get3A_236] : memref<4x8x512xi32, #tpu.memory_space<vmem>> -> memref<1x8x512xi32, #tpu.memory_space<vmem>>
      %get3A_238 = tpu.memref_squeeze %get3A_237 : memref<1x8x512xi32, #tpu.memory_space<vmem>> -> memref<8x512xi32, #tpu.memory_space<vmem>>
      %get3A_239 = arith.index_cast %scan3A_195 : i32 to index
      %get3A_240 = arith.constant 64 : index
      %get3A_241 = tpu.vector_load %get3A_238[%get3A_239, %get3A_240] {strides = array<i32>} : memref<8x512xi32, #tpu.memory_space<vmem>>, vector<1x16xi32>,
      %get3A_242 = vector.shape_cast %get3A_241 : vector<1x16xi32> to vector<16xi32>
      %add3A_243 = arith.addi %add3A_207, %get3A_242 : vector<16xi32>
      %get3A_244 = arith.constant 0 : i32
      %get3A_245 = arith.constant 0 : i32
      %get3A_246 = tpu.memref_slice %arg4[%scan3A, %get3A_244, %get3A_245] : memref<4x8x512xi32, #tpu.memory_space<vmem>> -> memref<1x8x512xi32, #tpu.memory_space<vmem>>
      %get3A_247 = tpu.memref_squeeze %get3A_246 : memref<1x8x512xi32, #tpu.memory_space<vmem>> -> memref<8x512xi32, #tpu.memory_space<vmem>>
      %get3A_248 = arith.index_cast %scan3A_195 : i32 to index
      %get3A_249 = arith.constant 80 : index
      %get3A_250 = tpu.vector_load %get3A_247[%get3A_248, %get3A_249] {strides = array<i32>} : memref<8x512xi32, #tpu.memory_space<vmem>>, vector<1x16xi32>,
      %get3A_251 = vector.shape_cast %get3A_250 : vector<1x16xi32> to vector<16xi32>
      %add3A_252 = arith.addi %add3A_216, %get3A_251 : vector<16xi32>
      %get3A_253 = arith.constant 0 : i32
      %get3A_254 = arith.constant 0 : i32
      %get3A_255 = tpu.memref_slice %arg4[%scan3A, %get3A_253, %get3A_254] : memref<4x8x512xi32, #tpu.memory_space<vmem>> -> memref<1x8x512xi32, #tpu.memory_space<vmem>>
      %get3A_256 = tpu.memref_squeeze %get3A_255 : memref<1x8x512xi32, #tpu.memory_space<vmem>> -> memref<8x512xi32, #tpu.memory_space<vmem>>
      %get3A_257 = arith.index_cast %scan3A_195 : i32 to index
      %get3A_258 = arith.constant 96 : index
      %get3A_259 = tpu.vector_load %get3A_256[%get3A_257, %get3A_258] {strides = array<i32>} : memref<8x512xi32, #tpu.memory_space<vmem>>, vector<1x16xi32>,
      %get3A_260 = vector.shape_cast %get3A_259 : vector<1x16xi32> to vector<16xi32>
      %add3A_261 = arith.addi %add3A_225, %get3A_260 : vector<16xi32>
      %get3A_262 = arith.constant 0 : i32
      %get3A_263 = arith.constant 0 : i32
      %get3A_264 = tpu.memref_slice %arg4[%scan3A, %get3A_262, %get3A_263] : memref<4x8x512xi32, #tpu.memory_space<vmem>> -> memref<1x8x512xi32, #tpu.memory_space<vmem>>
      %get3A_265 = tpu.memref_squeeze %get3A_264 : memref<1x8x512xi32, #tpu.memory_space<vmem>> -> memref<8x512xi32, #tpu.memory_space<vmem>>
      %get3A_266 = arith.index_cast %scan3A_195 : i32 to index
      %get3A_267 = arith.constant 112 : index
      %get3A_268 = tpu.vector_load %get3A_265[%get3A_266, %get3A_267] {strides = array<i32>} : memref<8x512xi32, #tpu.memory_space<vmem>>, vector<1x16xi32>,
      %get3A_269 = vector.shape_cast %get3A_268 : vector<1x16xi32> to vector<16xi32>
      %add3A_270 = arith.addi %add3A_234, %get3A_269 : vector<16xi32>
      %get3A_271 = arith.constant 0 : i32
      %get3A_272 = arith.constant 0 : i32
      %get3A_273 = tpu.memref_slice %arg4[%scan3A, %get3A_271, %get3A_272] : memref<4x8x512xi32, #tpu.memory_space<vmem>> -> memref<1x8x512xi32, #tpu.memory_space<vmem>>
      %get3A_274 = tpu.memref_squeeze %get3A_273 : memref<1x8x512xi32, #tpu.memory_space<vmem>> -> memref<8x512xi32, #tpu.memory_space<vmem>>
      %get3A_275 = arith.index_cast %scan3A_195 : i32 to index
      %get3A_276 = arith.constant 128 : index
      %get3A_277 = tpu.vector_load %get3A_274[%get3A_275, %get3A_276] {strides = array<i32>} : memref<8x512xi32, #tpu.memory_space<vmem>>, vector<1x16xi32>,
      %get3A_278 = vector.shape_cast %get3A_277 : vector<1x16xi32> to vector<16xi32>
      %add3A_279 = arith.addi %add3A_243, %get3A_278 : vector<16xi32>
      %get3A_280 = arith.constant 0 : i32
      %get3A_281 = arith.constant 0 : i32
      %get3A_282 = tpu.memref_slice %arg4[%scan3A, %get3A_280, %get3A_281] : memref<4x8x512xi32, #tpu.memory_space<vmem>> -> memref<1x8x512xi32, #tpu.memory_space<vmem>>
      %get3A_283 = tpu.memref_squeeze %get3A_282 : memref<1x8x512xi32, #tpu.memory_space<vmem>> -> memref<8x512xi32, #tpu.memory_space<vmem>>
      %get3A_284 = arith.index_cast %scan3A_195 : i32 to index
      %get3A_285 = arith.constant 144 : index
      %get3A_286 = tpu.vector_load %get3A_283[%get3A_284, %get3A_285] {strides = array<i32>} : memref<8x512xi32, #tpu.memory_space<vmem>>, vector<1x16xi32>,
      %get3A_287 = vector.shape_cast %get3A_286 : vector<1x16xi32> to vector<16xi32>
      %add3A_288 = arith.addi %add3A_252, %get3A_287 : vector<16xi32>
      %get3A_289 = arith.constant 0 : i32
      %get3A_290 = arith.constant 0 : i32
      %get3A_291 = tpu.memref_slice %arg4[%scan3A, %get3A_289, %get3A_290] : memref<4x8x512xi32, #tpu.memory_space<vmem>> -> memref<1x8x512xi32, #tpu.memory_space<vmem>>
      %get3A_292 = tpu.memref_squeeze %get3A_291 : memref<1x8x512xi32, #tpu.memory_space<vmem>> -> memref<8x512xi32, #tpu.memory_space<vmem>>
      %get3A_293 = arith.index_cast %scan3A_195 : i32 to index
      %get3A_294 = arith.constant 160 : index
      %get3A_295 = tpu.vector_load %get3A_292[%get3A_293, %get3A_294] {strides = array<i32>} : memref<8x512xi32, #tpu.memory_space<vmem>>, vector<1x16xi32>,
      %get3A_296 = vector.shape_cast %get3A_295 : vector<1x16xi32> to vector<16xi32>
      %add3A_297 = arith.addi %add3A_261, %get3A_296 : vector<16xi32>
      %get3A_298 = arith.constant 0 : i32
      %get3A_299 = arith.constant 0 : i32
      %get3A_300 = tpu.memref_slice %arg4[%scan3A, %get3A_298, %get3A_299] : memref<4x8x512xi32, #tpu.memory_space<vmem>> -> memref<1x8x512xi32, #tpu.memory_space<vmem>>
      %get3A_301 = tpu.memref_squeeze %get3A_300 : memref<1x8x512xi32, #tpu.memory_space<vmem>> -> memref<8x512xi32, #tpu.memory_space<vmem>>
      %get3A_302 = arith.index_cast %scan3A_195 : i32 to index
      %get3A_303 = arith.constant 176 : index
      %get3A_304 = tpu.vector_load %get3A_301[%get3A_302, %get3A_303] {strides = array<i32>} : memref<8x512xi32, #tpu.memory_space<vmem>>, vector<1x16xi32>,
      %get3A_305 = vector.shape_cast %get3A_304 : vector<1x16xi32> to vector<16xi32>
      %add3A_306 = arith.addi %add3A_270, %get3A_305 : vector<16xi32>
      %get3A_307 = arith.constant 0 : i32
      %get3A_308 = arith.constant 0 : i32
      %get3A_309 = tpu.memref_slice %arg4[%scan3A, %get3A_307, %get3A_308] : memref<4x8x512xi32, #tpu.memory_space<vmem>> -> memref<1x8x512xi32, #tpu.memory_space<vmem>>
      %get3A_310 = tpu.memref_squeeze %get3A_309 : memref<1x8x512xi32, #tpu.memory_space<vmem>> -> memref<8x512xi32, #tpu.memory_space<vmem>>
      %get3A_311 = arith.index_cast %scan3A_195 : i32 to index
      %get3A_312 = arith.constant 192 : index
      %get3A_313 = tpu.vector_load %get3A_310[%get3A_311, %get3A_312] {strides = array<i32>} : memref<8x512xi32, #tpu.memory_space<vmem>>, vector<1x16xi32>,
      %get3A_314 = vector.shape_cast %get3A_313 : vector<1x16xi32> to vector<16xi32>
      %add3A_315 = arith.addi %add3A_279, %get3A_314 : vector<16xi32>
      %get3A_316 = arith.constant 0 : i32
      %get3A_317 = arith.constant 0 : i32
      %get3A_318 = tpu.memref_slice %arg4[%scan3A, %get3A_316, %get3A_317] : memref<4x8x512xi32, #tpu.memory_space<vmem>> -> memref<1x8x512xi32, #tpu.memory_space<vmem>>
      %get3A_319 = tpu.memref_squeeze %get3A_318 : memref<1x8x512xi32, #tpu.memory_space<vmem>> -> memref<8x512xi32, #tpu.memory_space<vmem>>
      %get3A_320 = arith.index_cast %scan3A_195 : i32 to index
      %get3A_321 = arith.constant 208 : index
      %get3A_322 = tpu.vector_load %get3A_319[%get3A_320, %get3A_321] {strides = array<i32>} : memref<8x512xi32, #tpu.memory_space<vmem>>, vector<1x16xi32>,
      %get3A_323 = vector.shape_cast %get3A_322 : vector<1x16xi32> to vector<16xi32>
      %add3A_324 = arith.addi %add3A_288, %get3A_323 : vector<16xi32>
      %get3A_325 = arith.constant 0 : i32
      %get3A_326 = arith.constant 0 : i32
      %get3A_327 = tpu.memref_slice %arg4[%scan3A, %get3A_325, %get3A_326] : memref<4x8x512xi32, #tpu.memory_space<vmem>> -> memref<1x8x512xi32, #tpu.memory_space<vmem>>
      %get3A_328 = tpu.memref_squeeze %get3A_327 : memref<1x8x512xi32, #tpu.memory_space<vmem>> -> memref<8x512xi32, #tpu.memory_space<vmem>>
      %get3A_329 = arith.index_cast %scan3A_195 : i32 to index
      %get3A_330 = arith.constant 224 : index
      %get3A_331 = tpu.vector_load %get3A_328[%get3A_329, %get3A_330] {strides = array<i32>} : memref<8x512xi32, #tpu.memory_space<vmem>>, vector<1x16xi32>,
      %get3A_332 = vector.shape_cast %get3A_331 : vector<1x16xi32> to vector<16xi32>
      %add3A_333 = arith.addi %add3A_297, %get3A_332 : vector<16xi32>
      %get3A_334 = arith.constant 0 : i32
      %get3A_335 = arith.constant 0 : i32
      %get3A_336 = tpu.memref_slice %arg4[%scan3A, %get3A_334, %get3A_335] : memref<4x8x512xi32, #tpu.memory_space<vmem>> -> memref<1x8x512xi32, #tpu.memory_space<vmem>>
      %get3A_337 = tpu.memref_squeeze %get3A_336 : memref<1x8x512xi32, #tpu.memory_space<vmem>> -> memref<8x512xi32, #tpu.memory_space<vmem>>
      %get3A_338 = arith.index_cast %scan3A_195 : i32 to index
      %get3A_339 = arith.constant 240 : index
      %get3A_340 = tpu.vector_load %get3A_337[%get3A_338, %get3A_339] {strides = array<i32>} : memref<8x512xi32, #tpu.memory_space<vmem>>, vector<1x16xi32>,
      %get3A_341 = vector.shape_cast %get3A_340 : vector<1x16xi32> to vector<16xi32>
      %add3A_342 = arith.addi %add3A_306, %get3A_341 : vector<16xi32>
      %get3A_343 = arith.constant 0 : i32
      %get3A_344 = arith.constant 0 : i32
      %get3A_345 = tpu.memref_slice %arg4[%scan3A, %get3A_343, %get3A_344] : memref<4x8x512xi32, #tpu.memory_space<vmem>> -> memref<1x8x512xi32, #tpu.memory_space<vmem>>
      %get3A_346 = tpu.memref_squeeze %get3A_345 : memref<1x8x512xi32, #tpu.memory_space<vmem>> -> memref<8x512xi32, #tpu.memory_space<vmem>>
      %get3A_347 = arith.index_cast %scan3A_195 : i32 to index
      %get3A_348 = arith.constant 256 : index
      %get3A_349 = tpu.vector_load %get3A_346[%get3A_347, %get3A_348] {strides = array<i32>} : memref<8x512xi32, #tpu.memory_space<vmem>>, vector<1x16xi32>,
      %get3A_350 = vector.shape_cast %get3A_349 : vector<1x16xi32> to vector<16xi32>
      %add3A_351 = arith.addi %add3A_315, %get3A_350 : vector<16xi32>
      %get3A_352 = arith.constant 0 : i32
      %get3A_353 = arith.constant 0 : i32
      %get3A_354 = tpu.memref_slice %arg4[%scan3A, %get3A_352, %get3A_353] : memref<4x8x512xi32, #tpu.memory_space<vmem>> -> memref<1x8x512xi32, #tpu.memory_space<vmem>>
      %get3A_355 = tpu.memref_squeeze %get3A_354 : memref<1x8x512xi32, #tpu.memory_space<vmem>> -> memref<8x512xi32, #tpu.memory_space<vmem>>
      %get3A_356 = arith.index_cast %scan3A_195 : i32 to index
      %get3A_357 = arith.constant 272 : index
      %get3A_358 = tpu.vector_load %get3A_355[%get3A_356, %get3A_357] {strides = array<i32>} : memref<8x512xi32, #tpu.memory_space<vmem>>, vector<1x16xi32>,
      %get3A_359 = vector.shape_cast %get3A_358 : vector<1x16xi32> to vector<16xi32>
      %add3A_360 = arith.addi %add3A_324, %get3A_359 : vector<16xi32>
      %get3A_361 = arith.constant 0 : i32
      %get3A_362 = arith.constant 0 : i32
      %get3A_363 = tpu.memref_slice %arg4[%scan3A, %get3A_361, %get3A_362] : memref<4x8x512xi32, #tpu.memory_space<vmem>> -> memref<1x8x512xi32, #tpu.memory_space<vmem>>
      %get3A_364 = tpu.memref_squeeze %get3A_363 : memref<1x8x512xi32, #tpu.memory_space<vmem>> -> memref<8x512xi32, #tpu.memory_space<vmem>>
      %get3A_365 = arith.index_cast %scan3A_195 : i32 to index
      %get3A_366 = arith.constant 288 : index
      %get3A_367 = tpu.vector_load %get3A_364[%get3A_365, %get3A_366] {strides = array<i32>} : memref<8x512xi32, #tpu.memory_space<vmem>>, vector<1x16xi32>,
      %get3A_368 = vector.shape_cast %get3A_367 : vector<1x16xi32> to vector<16xi32>
      %add3A_369 = arith.addi %add3A_333, %get3A_368 : vector<16xi32>
      %get3A_370 = arith.constant 0 : i32
      %get3A_371 = arith.constant 0 : i32
      %get3A_372 = tpu.memref_slice %arg4[%scan3A, %get3A_370, %get3A_371] : memref<4x8x512xi32, #tpu.memory_space<vmem>> -> memref<1x8x512xi32, #tpu.memory_space<vmem>>
      %get3A_373 = tpu.memref_squeeze %get3A_372 : memref<1x8x512xi32, #tpu.memory_space<vmem>> -> memref<8x512xi32, #tpu.memory_space<vmem>>
      %get3A_374 = arith.index_cast %scan3A_195 : i32 to index
      %get3A_375 = arith.constant 304 : index
      %get3A_376 = tpu.vector_load %get3A_373[%get3A_374, %get3A_375] {strides = array<i32>} : memref<8x512xi32, #tpu.memory_space<vmem>>, vector<1x16xi32>,
      %get3A_377 = vector.shape_cast %get3A_376 : vector<1x16xi32> to vector<16xi32>
      %add3A_378 = arith.addi %add3A_342, %get3A_377 : vector<16xi32>
      %get3A_379 = arith.constant 0 : i32
      %get3A_380 = arith.constant 0 : i32
      %get3A_381 = tpu.memref_slice %arg4[%scan3A, %get3A_379, %get3A_380] : memref<4x8x512xi32, #tpu.memory_space<vmem>> -> memref<1x8x512xi32, #tpu.memory_space<vmem>>
      %get3A_382 = tpu.memref_squeeze %get3A_381 : memref<1x8x512xi32, #tpu.memory_space<vmem>> -> memref<8x512xi32, #tpu.memory_space<vmem>>
      %get3A_383 = arith.index_cast %scan3A_195 : i32 to index
      %get3A_384 = arith.constant 320 : index
      %get3A_385 = tpu.vector_load %get3A_382[%get3A_383, %get3A_384] {strides = array<i32>} : memref<8x512xi32, #tpu.memory_space<vmem>>, vector<1x16xi32>,
      %get3A_386 = vector.shape_cast %get3A_385 : vector<1x16xi32> to vector<16xi32>
      %add3A_387 = arith.addi %add3A_351, %get3A_386 : vector<16xi32>
      %get3A_388 = arith.constant 0 : i32
      %get3A_389 = arith.constant 0 : i32
      %get3A_390 = tpu.memref_slice %arg4[%scan3A, %get3A_388, %get3A_389] : memref<4x8x512xi32, #tpu.memory_space<vmem>> -> memref<1x8x512xi32, #tpu.memory_space<vmem>>
      %get3A_391 = tpu.memref_squeeze %get3A_390 : memref<1x8x512xi32, #tpu.memory_space<vmem>> -> memref<8x512xi32, #tpu.memory_space<vmem>>
      %get3A_392 = arith.index_cast %scan3A_195 : i32 to index
      %get3A_393 = arith.constant 336 : index
      %get3A_394 = tpu.vector_load %get3A_391[%get3A_392, %get3A_393] {strides = array<i32>} : memref<8x512xi32, #tpu.memory_space<vmem>>, vector<1x16xi32>,
      %get3A_395 = vector.shape_cast %get3A_394 : vector<1x16xi32> to vector<16xi32>
      %add3A_396 = arith.addi %add3A_360, %get3A_395 : vector<16xi32>
      %get3A_397 = arith.constant 0 : i32
      %get3A_398 = arith.constant 0 : i32
      %get3A_399 = tpu.memref_slice %arg4[%scan3A, %get3A_397, %get3A_398] : memref<4x8x512xi32, #tpu.memory_space<vmem>> -> memref<1x8x512xi32, #tpu.memory_space<vmem>>
      %get3A_400 = tpu.memref_squeeze %get3A_399 : memref<1x8x512xi32, #tpu.memory_space<vmem>> -> memref<8x512xi32, #tpu.memory_space<vmem>>
      %get3A_401 = arith.index_cast %scan3A_195 : i32 to index
      %get3A_402 = arith.constant 352 : index
      %get3A_403 = tpu.vector_load %get3A_400[%get3A_401, %get3A_402] {strides = array<i32>} : memref<8x512xi32, #tpu.memory_space<vmem>>, vector<1x16xi32>,
      %get3A_404 = vector.shape_cast %get3A_403 : vector<1x16xi32> to vector<16xi32>
      %add3A_405 = arith.addi %add3A_369, %get3A_404 : vector<16xi32>
      %get3A_406 = arith.constant 0 : i32
      %get3A_407 = arith.constant 0 : i32
      %get3A_408 = tpu.memref_slice %arg4[%scan3A, %get3A_406, %get3A_407] : memref<4x8x512xi32, #tpu.memory_space<vmem>> -> memref<1x8x512xi32, #tpu.memory_space<vmem>>
      %get3A_409 = tpu.memref_squeeze %get3A_408 : memref<1x8x512xi32, #tpu.memory_space<vmem>> -> memref<8x512xi32, #tpu.memory_space<vmem>>
      %get3A_410 = arith.index_cast %scan3A_195 : i32 to index
      %get3A_411 = arith.constant 368 : index
      %get3A_412 = tpu.vector_load %get3A_409[%get3A_410, %get3A_411] {strides = array<i32>} : memref<8x512xi32, #tpu.memory_space<vmem>>, vector<1x16xi32>,
      %get3A_413 = vector.shape_cast %get3A_412 : vector<1x16xi32> to vector<16xi32>
      %add3A_414 = arith.addi %add3A_378, %get3A_413 : vector<16xi32>
      %get3A_415 = arith.constant 0 : i32
      %get3A_416 = arith.constant 0 : i32
      %get3A_417 = tpu.memref_slice %arg4[%scan3A, %get3A_415, %get3A_416] : memref<4x8x512xi32, #tpu.memory_space<vmem>> -> memref<1x8x512xi32, #tpu.memory_space<vmem>>
      %get3A_418 = tpu.memref_squeeze %get3A_417 : memref<1x8x512xi32, #tpu.memory_space<vmem>> -> memref<8x512xi32, #tpu.memory_space<vmem>>
      %get3A_419 = arith.index_cast %scan3A_195 : i32 to index
      %get3A_420 = arith.constant 384 : index
      %get3A_421 = tpu.vector_load %get3A_418[%get3A_419, %get3A_420] {strides = array<i32>} : memref<8x512xi32, #tpu.memory_space<vmem>>, vector<1x16xi32>,
      %get3A_422 = vector.shape_cast %get3A_421 : vector<1x16xi32> to vector<16xi32>
      %add3A_423 = arith.addi %add3A_387, %get3A_422 : vector<16xi32>
      %get3A_424 = arith.constant 0 : i32
      %get3A_425 = arith.constant 0 : i32
      %get3A_426 = tpu.memref_slice %arg4[%scan3A, %get3A_424, %get3A_425] : memref<4x8x512xi32, #tpu.memory_space<vmem>> -> memref<1x8x512xi32, #tpu.memory_space<vmem>>
      %get3A_427 = tpu.memref_squeeze %get3A_426 : memref<1x8x512xi32, #tpu.memory_space<vmem>> -> memref<8x512xi32, #tpu.memory_space<vmem>>
      %get3A_428 = arith.index_cast %scan3A_195 : i32 to index
      %get3A_429 = arith.constant 400 : index
      %get3A_430 = tpu.vector_load %get3A_427[%get3A_428, %get3A_429] {strides = array<i32>} : memref<8x512xi32, #tpu.memory_space<vmem>>, vector<1x16xi32>,
      %get3A_431 = vector.shape_cast %get3A_430 : vector<1x16xi32> to vector<16xi32>
      %add3A_432 = arith.addi %add3A_396, %get3A_431 : vector<16xi32>
      %get3A_433 = arith.constant 0 : i32
      %get3A_434 = arith.constant 0 : i32
      %get3A_435 = tpu.memref_slice %arg4[%scan3A, %get3A_433, %get3A_434] : memref<4x8x512xi32, #tpu.memory_space<vmem>> -> memref<1x8x512xi32, #tpu.memory_space<vmem>>
      %get3A_436 = tpu.memref_squeeze %get3A_435 : memref<1x8x512xi32, #tpu.memory_space<vmem>> -> memref<8x512xi32, #tpu.memory_space<vmem>>
      %get3A_437 = arith.index_cast %scan3A_195 : i32 to index
      %get3A_438 = arith.constant 416 : index
      %get3A_439 = tpu.vector_load %get3A_436[%get3A_437, %get3A_438] {strides = array<i32>} : memref<8x512xi32, #tpu.memory_space<vmem>>, vector<1x16xi32>,
      %get3A_440 = vector.shape_cast %get3A_439 : vector<1x16xi32> to vector<16xi32>
      %add3A_441 = arith.addi %add3A_405, %get3A_440 : vector<16xi32>
      %get3A_442 = arith.constant 0 : i32
      %get3A_443 = arith.constant 0 : i32
      %get3A_444 = tpu.memref_slice %arg4[%scan3A, %get3A_442, %get3A_443] : memref<4x8x512xi32, #tpu.memory_space<vmem>> -> memref<1x8x512xi32, #tpu.memory_space<vmem>>
      %get3A_445 = tpu.memref_squeeze %get3A_444 : memref<1x8x512xi32, #tpu.memory_space<vmem>> -> memref<8x512xi32, #tpu.memory_space<vmem>>
      %get3A_446 = arith.index_cast %scan3A_195 : i32 to index
      %get3A_447 = arith.constant 432 : index
      %get3A_448 = tpu.vector_load %get3A_445[%get3A_446, %get3A_447] {strides = array<i32>} : memref<8x512xi32, #tpu.memory_space<vmem>>, vector<1x16xi32>,
      %get3A_449 = vector.shape_cast %get3A_448 : vector<1x16xi32> to vector<16xi32>
      %add3A_450 = arith.addi %add3A_414, %get3A_449 : vector<16xi32>
      %get3A_451 = arith.constant 0 : i32
      %get3A_452 = arith.constant 0 : i32
      %get3A_453 = tpu.memref_slice %arg4[%scan3A, %get3A_451, %get3A_452] : memref<4x8x512xi32, #tpu.memory_space<vmem>> -> memref<1x8x512xi32, #tpu.memory_space<vmem>>
      %get3A_454 = tpu.memref_squeeze %get3A_453 : memref<1x8x512xi32, #tpu.memory_space<vmem>> -> memref<8x512xi32, #tpu.memory_space<vmem>>
      %get3A_455 = arith.index_cast %scan3A_195 : i32 to index
      %get3A_456 = arith.constant 448 : index
      %get3A_457 = tpu.vector_load %get3A_454[%get3A_455, %get3A_456] {strides = array<i32>} : memref<8x512xi32, #tpu.memory_space<vmem>>, vector<1x16xi32>,
      %get3A_458 = vector.shape_cast %get3A_457 : vector<1x16xi32> to vector<16xi32>
      %add3A_459 = arith.addi %add3A_423, %get3A_458 : vector<16xi32>
      %get3A_460 = arith.constant 0 : i32
      %get3A_461 = arith.constant 0 : i32
      %get3A_462 = tpu.memref_slice %arg4[%scan3A, %get3A_460, %get3A_461] : memref<4x8x512xi32, #tpu.memory_space<vmem>> -> memref<1x8x512xi32, #tpu.memory_space<vmem>>
      %get3A_463 = tpu.memref_squeeze %get3A_462 : memref<1x8x512xi32, #tpu.memory_space<vmem>> -> memref<8x512xi32, #tpu.memory_space<vmem>>
      %get3A_464 = arith.index_cast %scan3A_195 : i32 to index
      %get3A_465 = arith.constant 464 : index
      %get3A_466 = tpu.vector_load %get3A_463[%get3A_464, %get3A_465] {strides = array<i32>} : memref<8x512xi32, #tpu.memory_space<vmem>>, vector<1x16xi32>,
      %get3A_467 = vector.shape_cast %get3A_466 : vector<1x16xi32> to vector<16xi32>
      %add3A_468 = arith.addi %add3A_432, %get3A_467 : vector<16xi32>
      %get3A_469 = arith.constant 0 : i32
      %get3A_470 = arith.constant 0 : i32
      %get3A_471 = tpu.memref_slice %arg4[%scan3A, %get3A_469, %get3A_470] : memref<4x8x512xi32, #tpu.memory_space<vmem>> -> memref<1x8x512xi32, #tpu.memory_space<vmem>>
      %get3A_472 = tpu.memref_squeeze %get3A_471 : memref<1x8x512xi32, #tpu.memory_space<vmem>> -> memref<8x512xi32, #tpu.memory_space<vmem>>
      %get3A_473 = arith.index_cast %scan3A_195 : i32 to index
      %get3A_474 = arith.constant 480 : index
      %get3A_475 = tpu.vector_load %get3A_472[%get3A_473, %get3A_474] {strides = array<i32>} : memref<8x512xi32, #tpu.memory_space<vmem>>, vector<1x16xi32>,
      %get3A_476 = vector.shape_cast %get3A_475 : vector<1x16xi32> to vector<16xi32>
      %add3A_477 = arith.addi %add3A_441, %get3A_476 : vector<16xi32>
      %get3A_478 = arith.constant 0 : i32
      %get3A_479 = arith.constant 0 : i32
      %get3A_480 = tpu.memref_slice %arg4[%scan3A, %get3A_478, %get3A_479] : memref<4x8x512xi32, #tpu.memory_space<vmem>> -> memref<1x8x512xi32, #tpu.memory_space<vmem>>
      %get3A_481 = tpu.memref_squeeze %get3A_480 : memref<1x8x512xi32, #tpu.memory_space<vmem>> -> memref<8x512xi32, #tpu.memory_space<vmem>>
      %get3A_482 = arith.index_cast %scan3A_195 : i32 to index
      %get3A_483 = arith.constant 496 : index
      %get3A_484 = tpu.vector_load %get3A_481[%get3A_482, %get3A_483] {strides = array<i32>} : memref<8x512xi32, #tpu.memory_space<vmem>>, vector<1x16xi32>,
      %get3A_485 = vector.shape_cast %get3A_484 : vector<1x16xi32> to vector<16xi32>
      %add3A_486 = arith.addi %add3A_450, %get3A_485 : vector<16xi32>
      scf.yield %add3A_459, %add3A_468, %add3A_477, %add3A_486 : vector<16xi32>, vector<16xi32>, vector<16xi32>, vector<16xi32>
    }
    %scan3A_122 = arith.constant 8 : i32
    %dma_wait3A_123 = arith.constant 1 : i32
    %dma_wait3A_124 = arith.constant 0 : i32
    %dma_wait3A_125 = arith.constant 0 : i32
    %dma_wait3A_126 = tpu.memref_slice %arg4[%dma_wait3A_123, %dma_wait3A_124, %dma_wait3A_125] : memref<4x8x512xi32, #tpu.memory_space<vmem>> -> memref<1x8x512xi32, #tpu.memory_space<vmem>>
    %dma_wait3A_127 = tpu.memref_squeeze %dma_wait3A_126 : memref<1x8x512xi32, #tpu.memory_space<vmem>> -> memref<8x512xi32, #tpu.memory_space<vmem>>
    %dma_wait3A_128 = arith.constant 0 : i32
    %dma_wait3A_129 = tpu.memref_slice %arg2[%add3A_18, %add3A_53, %dma_wait3A_128] : memref<8x512x512xi32, #tpu.memory_space<hbm>> -> memref<1x8x512xi32, #tpu.memory_space<hbm>>
    %dma_wait3A_130 = tpu.memref_squeeze %dma_wait3A_129 : memref<1x8x512xi32, #tpu.memory_space<hbm>> -> memref<8x512xi32, #tpu.memory_space<hbm>>
    %dma_wait3A_131 = arith.constant 0 : i32
    %dma_wait3A_132 = arith.constant 0 : i32
    %dma_wait3A_133 = tpu.memref_slice %arg4[%dma_wait3A_123, %dma_wait3A_131, %dma_wait3A_132] : memref<4x8x512xi32, #tpu.memory_space<vmem>> -> memref<1x8x512xi32, #tpu.memory_space<vmem>>
    %dma_wait3A_134 = tpu.memref_squeeze %dma_wait3A_133 : memref<1x8x512xi32, #tpu.memory_space<vmem>> -> memref<8x512xi32, #tpu.memory_space<vmem>>
    %dma_wait3A_135 = arith.constant 0 : i32
    %dma_wait3A_136 = tpu.memref_slice %arg2[%add3A_18, %add3A_53, %dma_wait3A_135] : memref<8x512x512xi32, #tpu.memory_space<hbm>> -> memref<1x8x512xi32, #tpu.memory_space<hbm>>
    %dma_wait3A_137 = tpu.memref_squeeze %dma_wait3A_136 : memref<1x8x512xi32, #tpu.memory_space<hbm>> -> memref<8x512xi32, #tpu.memory_space<hbm>>
    tpu.wait_dma2 semaphore(%arg7 : memref<!tpu.dma_semaphore, #tpu.memory_space<semaphore_mem>>) src(%dma_wait3A_137 : memref<8x512xi32, #tpu.memory_space<hbm>>) dst(%dma_wait3A_134 : memref<8x512xi32, #tpu.memory_space<vmem>>)
    %scan3A_138 = arith.constant 1 : i32
    %scan3A_139 = arith.constant 0 : i32
    %scan3A_140 = arith.constant 8 : i32
    %scan3A_141 = arith.addi %scan3A_139, %scan3A_140 : i32
    %scan3A_142 = arith.constant 1 : i32
    %scan3A_143:4 = scf.for %scan3A_195 = %scan3A_139 to %scan3A_141 step %scan3A_142 iter_args(%scan3A_196 = %scan3A_121#0, %scan3A_197 = %scan3A_121#1, %scan3A_198 = %scan3A_121#2, %scan3A_199 = %scan3A_121#3) -> (vector<16xi32>, vector<16xi32>, vector<16xi32>, vector<16xi32>)  : i32 {
      %get3A = arith.constant 0 : i32
      %get3A_200 = arith.constant 0 : i32
      %get3A_201 = tpu.memref_slice %arg4[%scan3A_138, %get3A, %get3A_200] : memref<4x8x512xi32, #tpu.memory_space<vmem>> -> memref<1x8x512xi32, #tpu.memory_space<vmem>>
      %get3A_202 = tpu.memref_squeeze %get3A_201 : memref<1x8x512xi32, #tpu.memory_space<vmem>> -> memref<8x512xi32, #tpu.memory_space<vmem>>
      %get3A_203 = arith.index_cast %scan3A_195 : i32 to index
      %get3A_204 = arith.constant 0 : index
      %get3A_205 = tpu.vector_load %get3A_202[%get3A_203, %get3A_204] {strides = array<i32>} : memref<8x512xi32, #tpu.memory_space<vmem>>, vector<1x16xi32>,
      %get3A_206 = vector.shape_cast %get3A_205 : vector<1x16xi32> to vector<16xi32>
      %add3A_207 = arith.addi %scan3A_196, %get3A_206 : vector<16xi32>
      %get3A_208 = arith.constant 0 : i32
      %get3A_209 = arith.constant 0 : i32
      %get3A_210 = tpu.memref_slice %arg4[%scan3A_138, %get3A_208, %get3A_209] : memref<4x8x512xi32, #tpu.memory_space<vmem>> -> memref<1x8x512xi32, #tpu.memory_space<vmem>>
      %get3A_211 = tpu.memref_squeeze %get3A_210 : memref<1x8x512xi32, #tpu.memory_space<vmem>> -> memref<8x512xi32, #tpu.memory_space<vmem>>
      %get3A_212 = arith.index_cast %scan3A_195 : i32 to index
      %get3A_213 = arith.constant 16 : index
      %get3A_214 = tpu.vector_load %get3A_211[%get3A_212, %get3A_213] {strides = array<i32>} : memref<8x512xi32, #tpu.memory_space<vmem>>, vector<1x16xi32>,
      %get3A_215 = vector.shape_cast %get3A_214 : vector<1x16xi32> to vector<16xi32>
      %add3A_216 = arith.addi %scan3A_197, %get3A_215 : vector<16xi32>
      %get3A_217 = arith.constant 0 : i32
      %get3A_218 = arith.constant 0 : i32
      %get3A_219 = tpu.memref_slice %arg4[%scan3A_138, %get3A_217, %get3A_218] : memref<4x8x512xi32, #tpu.memory_space<vmem>> -> memref<1x8x512xi32, #tpu.memory_space<vmem>>
      %get3A_220 = tpu.memref_squeeze %get3A_219 : memref<1x8x512xi32, #tpu.memory_space<vmem>> -> memref<8x512xi32, #tpu.memory_space<vmem>>
      %get3A_221 = arith.index_cast %scan3A_195 : i32 to index
      %get3A_222 = arith.constant 32 : index
      %get3A_223 = tpu.vector_load %get3A_220[%get3A_221, %get3A_222] {strides = array<i32>} : memref<8x512xi32, #tpu.memory_space<vmem>>, vector<1x16xi32>,
      %get3A_224 = vector.shape_cast %get3A_223 : vector<1x16xi32> to vector<16xi32>
      %add3A_225 = arith.addi %scan3A_198, %get3A_224 : vector<16xi32>
      %get3A_226 = arith.constant 0 : i32
      %get3A_227 = arith.constant 0 : i32
      %get3A_228 = tpu.memref_slice %arg4[%scan3A_138, %get3A_226, %get3A_227] : memref<4x8x512xi32, #tpu.memory_space<vmem>> -> memref<1x8x512xi32, #tpu.memory_space<vmem>>
      %get3A_229 = tpu.memref_squeeze %get3A_228 : memref<1x8x512xi32, #tpu.memory_space<vmem>> -> memref<8x512xi32, #tpu.memory_space<vmem>>
      %get3A_230 = arith.index_cast %scan3A_195 : i32 to index
      %get3A_231 = arith.constant 48 : index
      %get3A_232 = tpu.vector_load %get3A_229[%get3A_230, %get3A_231] {strides = array<i32>} : memref<8x512xi32, #tpu.memory_space<vmem>>, vector<1x16xi32>,
      %get3A_233 = vector.shape_cast %get3A_232 : vector<1x16xi32> to vector<16xi32>
      %add3A_234 = arith.addi %scan3A_199, %get3A_233 : vector<16xi32>
      %get3A_235 = arith.constant 0 : i32
      %get3A_236 = arith.constant 0 : i32
      %get3A_237 = tpu.memref_slice %arg4[%scan3A_138, %get3A_235, %get3A_236] : memref<4x8x512xi32, #tpu.memory_space<vmem>> -> memref<1x8x512xi32, #tpu.memory_space<vmem>>
      %get3A_238 = tpu.memref_squeeze %get3A_237 : memref<1x8x512xi32, #tpu.memory_space<vmem>> -> memref<8x512xi32, #tpu.memory_space<vmem>>
      %get3A_239 = arith.index_cast %scan3A_195 : i32 to index
      %get3A_240 = arith.constant 64 : index
      %get3A_241 = tpu.vector_load %get3A_238[%get3A_239, %get3A_240] {strides = array<i32>} : memref<8x512xi32, #tpu.memory_space<vmem>>, vector<1x16xi32>,
      %get3A_242 = vector.shape_cast %get3A_241 : vector<1x16xi32> to vector<16xi32>
      %add3A_243 = arith.addi %add3A_207, %get3A_242 : vector<16xi32>
      %get3A_244 = arith.constant 0 : i32
      %get3A_245 = arith.constant 0 : i32
      %get3A_246 = tpu.memref_slice %arg4[%scan3A_138, %get3A_244, %get3A_245] : memref<4x8x512xi32, #tpu.memory_space<vmem>> -> memref<1x8x512xi32, #tpu.memory_space<vmem>>
      %get3A_247 = tpu.memref_squeeze %get3A_246 : memref<1x8x512xi32, #tpu.memory_space<vmem>> -> memref<8x512xi32, #tpu.memory_space<vmem>>
      %get3A_248 = arith.index_cast %scan3A_195 : i32 to index
      %get3A_249 = arith.constant 80 : index
      %get3A_250 = tpu.vector_load %get3A_247[%get3A_248, %get3A_249] {strides = array<i32>} : memref<8x512xi32, #tpu.memory_space<vmem>>, vector<1x16xi32>,
      %get3A_251 = vector.shape_cast %get3A_250 : vector<1x16xi32> to vector<16xi32>
      %add3A_252 = arith.addi %add3A_216, %get3A_251 : vector<16xi32>
      %get3A_253 = arith.constant 0 : i32
      %get3A_254 = arith.constant 0 : i32
      %get3A_255 = tpu.memref_slice %arg4[%scan3A_138, %get3A_253, %get3A_254] : memref<4x8x512xi32, #tpu.memory_space<vmem>> -> memref<1x8x512xi32, #tpu.memory_space<vmem>>
      %get3A_256 = tpu.memref_squeeze %get3A_255 : memref<1x8x512xi32, #tpu.memory_space<vmem>> -> memref<8x512xi32, #tpu.memory_space<vmem>>
      %get3A_257 = arith.index_cast %scan3A_195 : i32 to index
      %get3A_258 = arith.constant 96 : index
      %get3A_259 = tpu.vector_load %get3A_256[%get3A_257, %get3A_258] {strides = array<i32>} : memref<8x512xi32, #tpu.memory_space<vmem>>, vector<1x16xi32>,
      %get3A_260 = vector.shape_cast %get3A_259 : vector<1x16xi32> to vector<16xi32>
      %add3A_261 = arith.addi %add3A_225, %get3A_260 : vector<16xi32>
      %get3A_262 = arith.constant 0 : i32
      %get3A_263 = arith.constant 0 : i32
      %get3A_264 = tpu.memref_slice %arg4[%scan3A_138, %get3A_262, %get3A_263] : memref<4x8x512xi32, #tpu.memory_space<vmem>> -> memref<1x8x512xi32, #tpu.memory_space<vmem>>
      %get3A_265 = tpu.memref_squeeze %get3A_264 : memref<1x8x512xi32, #tpu.memory_space<vmem>> -> memref<8x512xi32, #tpu.memory_space<vmem>>
      %get3A_266 = arith.index_cast %scan3A_195 : i32 to index
      %get3A_267 = arith.constant 112 : index
      %get3A_268 = tpu.vector_load %get3A_265[%get3A_266, %get3A_267] {strides = array<i32>} : memref<8x512xi32, #tpu.memory_space<vmem>>, vector<1x16xi32>,
      %get3A_269 = vector.shape_cast %get3A_268 : vector<1x16xi32> to vector<16xi32>
      %add3A_270 = arith.addi %add3A_234, %get3A_269 : vector<16xi32>
      %get3A_271 = arith.constant 0 : i32
      %get3A_272 = arith.constant 0 : i32
      %get3A_273 = tpu.memref_slice %arg4[%scan3A_138, %get3A_271, %get3A_272] : memref<4x8x512xi32, #tpu.memory_space<vmem>> -> memref<1x8x512xi32, #tpu.memory_space<vmem>>
      %get3A_274 = tpu.memref_squeeze %get3A_273 : memref<1x8x512xi32, #tpu.memory_space<vmem>> -> memref<8x512xi32, #tpu.memory_space<vmem>>
      %get3A_275 = arith.index_cast %scan3A_195 : i32 to index
      %get3A_276 = arith.constant 128 : index
      %get3A_277 = tpu.vector_load %get3A_274[%get3A_275, %get3A_276] {strides = array<i32>} : memref<8x512xi32, #tpu.memory_space<vmem>>, vector<1x16xi32>,
      %get3A_278 = vector.shape_cast %get3A_277 : vector<1x16xi32> to vector<16xi32>
      %add3A_279 = arith.addi %add3A_243, %get3A_278 : vector<16xi32>
      %get3A_280 = arith.constant 0 : i32
      %get3A_281 = arith.constant 0 : i32
      %get3A_282 = tpu.memref_slice %arg4[%scan3A_138, %get3A_280, %get3A_281] : memref<4x8x512xi32, #tpu.memory_space<vmem>> -> memref<1x8x512xi32, #tpu.memory_space<vmem>>
      %get3A_283 = tpu.memref_squeeze %get3A_282 : memref<1x8x512xi32, #tpu.memory_space<vmem>> -> memref<8x512xi32, #tpu.memory_space<vmem>>
      %get3A_284 = arith.index_cast %scan3A_195 : i32 to index
      %get3A_285 = arith.constant 144 : index
      %get3A_286 = tpu.vector_load %get3A_283[%get3A_284, %get3A_285] {strides = array<i32>} : memref<8x512xi32, #tpu.memory_space<vmem>>, vector<1x16xi32>,
      %get3A_287 = vector.shape_cast %get3A_286 : vector<1x16xi32> to vector<16xi32>
      %add3A_288 = arith.addi %add3A_252, %get3A_287 : vector<16xi32>
      %get3A_289 = arith.constant 0 : i32
      %get3A_290 = arith.constant 0 : i32
      %get3A_291 = tpu.memref_slice %arg4[%scan3A_138, %get3A_289, %get3A_290] : memref<4x8x512xi32, #tpu.memory_space<vmem>> -> memref<1x8x512xi32, #tpu.memory_space<vmem>>
      %get3A_292 = tpu.memref_squeeze %get3A_291 : memref<1x8x512xi32, #tpu.memory_space<vmem>> -> memref<8x512xi32, #tpu.memory_space<vmem>>
      %get3A_293 = arith.index_cast %scan3A_195 : i32 to index
      %get3A_294 = arith.constant 160 : index
      %get3A_295 = tpu.vector_load %get3A_292[%get3A_293, %get3A_294] {strides = array<i32>} : memref<8x512xi32, #tpu.memory_space<vmem>>, vector<1x16xi32>,
      %get3A_296 = vector.shape_cast %get3A_295 : vector<1x16xi32> to vector<16xi32>
      %add3A_297 = arith.addi %add3A_261, %get3A_296 : vector<16xi32>
      %get3A_298 = arith.constant 0 : i32
      %get3A_299 = arith.constant 0 : i32
      %get3A_300 = tpu.memref_slice %arg4[%scan3A_138, %get3A_298, %get3A_299] : memref<4x8x512xi32, #tpu.memory_space<vmem>> -> memref<1x8x512xi32, #tpu.memory_space<vmem>>
      %get3A_301 = tpu.memref_squeeze %get3A_300 : memref<1x8x512xi32, #tpu.memory_space<vmem>> -> memref<8x512xi32, #tpu.memory_space<vmem>>
      %get3A_302 = arith.index_cast %scan3A_195 : i32 to index
      %get3A_303 = arith.constant 176 : index
      %get3A_304 = tpu.vector_load %get3A_301[%get3A_302, %get3A_303] {strides = array<i32>} : memref<8x512xi32, #tpu.memory_space<vmem>>, vector<1x16xi32>,
      %get3A_305 = vector.shape_cast %get3A_304 : vector<1x16xi32> to vector<16xi32>
      %add3A_306 = arith.addi %add3A_270, %get3A_305 : vector<16xi32>
      %get3A_307 = arith.constant 0 : i32
      %get3A_308 = arith.constant 0 : i32
      %get3A_309 = tpu.memref_slice %arg4[%scan3A_138, %get3A_307, %get3A_308] : memref<4x8x512xi32, #tpu.memory_space<vmem>> -> memref<1x8x512xi32, #tpu.memory_space<vmem>>
      %get3A_310 = tpu.memref_squeeze %get3A_309 : memref<1x8x512xi32, #tpu.memory_space<vmem>> -> memref<8x512xi32, #tpu.memory_space<vmem>>
      %get3A_311 = arith.index_cast %scan3A_195 : i32 to index
      %get3A_312 = arith.constant 192 : index
      %get3A_313 = tpu.vector_load %get3A_310[%get3A_311, %get3A_312] {strides = array<i32>} : memref<8x512xi32, #tpu.memory_space<vmem>>, vector<1x16xi32>,
      %get3A_314 = vector.shape_cast %get3A_313 : vector<1x16xi32> to vector<16xi32>
      %add3A_315 = arith.addi %add3A_279, %get3A_314 : vector<16xi32>
      %get3A_316 = arith.constant 0 : i32
      %get3A_317 = arith.constant 0 : i32
      %get3A_318 = tpu.memref_slice %arg4[%scan3A_138, %get3A_316, %get3A_317] : memref<4x8x512xi32, #tpu.memory_space<vmem>> -> memref<1x8x512xi32, #tpu.memory_space<vmem>>
      %get3A_319 = tpu.memref_squeeze %get3A_318 : memref<1x8x512xi32, #tpu.memory_space<vmem>> -> memref<8x512xi32, #tpu.memory_space<vmem>>
      %get3A_320 = arith.index_cast %scan3A_195 : i32 to index
      %get3A_321 = arith.constant 208 : index
      %get3A_322 = tpu.vector_load %get3A_319[%get3A_320, %get3A_321] {strides = array<i32>} : memref<8x512xi32, #tpu.memory_space<vmem>>, vector<1x16xi32>,
      %get3A_323 = vector.shape_cast %get3A_322 : vector<1x16xi32> to vector<16xi32>
      %add3A_324 = arith.addi %add3A_288, %get3A_323 : vector<16xi32>
      %get3A_325 = arith.constant 0 : i32
      %get3A_326 = arith.constant 0 : i32
      %get3A_327 = tpu.memref_slice %arg4[%scan3A_138, %get3A_325, %get3A_326] : memref<4x8x512xi32, #tpu.memory_space<vmem>> -> memref<1x8x512xi32, #tpu.memory_space<vmem>>
      %get3A_328 = tpu.memref_squeeze %get3A_327 : memref<1x8x512xi32, #tpu.memory_space<vmem>> -> memref<8x512xi32, #tpu.memory_space<vmem>>
      %get3A_329 = arith.index_cast %scan3A_195 : i32 to index
      %get3A_330 = arith.constant 224 : index
      %get3A_331 = tpu.vector_load %get3A_328[%get3A_329, %get3A_330] {strides = array<i32>} : memref<8x512xi32, #tpu.memory_space<vmem>>, vector<1x16xi32>,
      %get3A_332 = vector.shape_cast %get3A_331 : vector<1x16xi32> to vector<16xi32>
      %add3A_333 = arith.addi %add3A_297, %get3A_332 : vector<16xi32>
      %get3A_334 = arith.constant 0 : i32
      %get3A_335 = arith.constant 0 : i32
      %get3A_336 = tpu.memref_slice %arg4[%scan3A_138, %get3A_334, %get3A_335] : memref<4x8x512xi32, #tpu.memory_space<vmem>> -> memref<1x8x512xi32, #tpu.memory_space<vmem>>
      %get3A_337 = tpu.memref_squeeze %get3A_336 : memref<1x8x512xi32, #tpu.memory_space<vmem>> -> memref<8x512xi32, #tpu.memory_space<vmem>>
      %get3A_338 = arith.index_cast %scan3A_195 : i32 to index
      %get3A_339 = arith.constant 240 : index
      %get3A_340 = tpu.vector_load %get3A_337[%get3A_338, %get3A_339] {strides = array<i32>} : memref<8x512xi32, #tpu.memory_space<vmem>>, vector<1x16xi32>,
      %get3A_341 = vector.shape_cast %get3A_340 : vector<1x16xi32> to vector<16xi32>
      %add3A_342 = arith.addi %add3A_306, %get3A_341 : vector<16xi32>
      %get3A_343 = arith.constant 0 : i32
      %get3A_344 = arith.constant 0 : i32
      %get3A_345 = tpu.memref_slice %arg4[%scan3A_138, %get3A_343, %get3A_344] : memref<4x8x512xi32, #tpu.memory_space<vmem>> -> memref<1x8x512xi32, #tpu.memory_space<vmem>>
      %get3A_346 = tpu.memref_squeeze %get3A_345 : memref<1x8x512xi32, #tpu.memory_space<vmem>> -> memref<8x512xi32, #tpu.memory_space<vmem>>
      %get3A_347 = arith.index_cast %scan3A_195 : i32 to index
      %get3A_348 = arith.constant 256 : index
      %get3A_349 = tpu.vector_load %get3A_346[%get3A_347, %get3A_348] {strides = array<i32>} : memref<8x512xi32, #tpu.memory_space<vmem>>, vector<1x16xi32>,
      %get3A_350 = vector.shape_cast %get3A_349 : vector<1x16xi32> to vector<16xi32>
      %add3A_351 = arith.addi %add3A_315, %get3A_350 : vector<16xi32>
      %get3A_352 = arith.constant 0 : i32
      %get3A_353 = arith.constant 0 : i32
      %get3A_354 = tpu.memref_slice %arg4[%scan3A_138, %get3A_352, %get3A_353] : memref<4x8x512xi32, #tpu.memory_space<vmem>> -> memref<1x8x512xi32, #tpu.memory_space<vmem>>
      %get3A_355 = tpu.memref_squeeze %get3A_354 : memref<1x8x512xi32, #tpu.memory_space<vmem>> -> memref<8x512xi32, #tpu.memory_space<vmem>>
      %get3A_356 = arith.index_cast %scan3A_195 : i32 to index
      %get3A_357 = arith.constant 272 : index
      %get3A_358 = tpu.vector_load %get3A_355[%get3A_356, %get3A_357] {strides = array<i32>} : memref<8x512xi32, #tpu.memory_space<vmem>>, vector<1x16xi32>,
      %get3A_359 = vector.shape_cast %get3A_358 : vector<1x16xi32> to vector<16xi32>
      %add3A_360 = arith.addi %add3A_324, %get3A_359 : vector<16xi32>
      %get3A_361 = arith.constant 0 : i32
      %get3A_362 = arith.constant 0 : i32
      %get3A_363 = tpu.memref_slice %arg4[%scan3A_138, %get3A_361, %get3A_362] : memref<4x8x512xi32, #tpu.memory_space<vmem>> -> memref<1x8x512xi32, #tpu.memory_space<vmem>>
      %get3A_364 = tpu.memref_squeeze %get3A_363 : memref<1x8x512xi32, #tpu.memory_space<vmem>> -> memref<8x512xi32, #tpu.memory_space<vmem>>
      %get3A_365 = arith.index_cast %scan3A_195 : i32 to index
      %get3A_366 = arith.constant 288 : index
      %get3A_367 = tpu.vector_load %get3A_364[%get3A_365, %get3A_366] {strides = array<i32>} : memref<8x512xi32, #tpu.memory_space<vmem>>, vector<1x16xi32>,
      %get3A_368 = vector.shape_cast %get3A_367 : vector<1x16xi32> to vector<16xi32>
      %add3A_369 = arith.addi %add3A_333, %get3A_368 : vector<16xi32>
      %get3A_370 = arith.constant 0 : i32
      %get3A_371 = arith.constant 0 : i32
      %get3A_372 = tpu.memref_slice %arg4[%scan3A_138, %get3A_370, %get3A_371] : memref<4x8x512xi32, #tpu.memory_space<vmem>> -> memref<1x8x512xi32, #tpu.memory_space<vmem>>
      %get3A_373 = tpu.memref_squeeze %get3A_372 : memref<1x8x512xi32, #tpu.memory_space<vmem>> -> memref<8x512xi32, #tpu.memory_space<vmem>>
      %get3A_374 = arith.index_cast %scan3A_195 : i32 to index
      %get3A_375 = arith.constant 304 : index
      %get3A_376 = tpu.vector_load %get3A_373[%get3A_374, %get3A_375] {strides = array<i32>} : memref<8x512xi32, #tpu.memory_space<vmem>>, vector<1x16xi32>,
      %get3A_377 = vector.shape_cast %get3A_376 : vector<1x16xi32> to vector<16xi32>
      %add3A_378 = arith.addi %add3A_342, %get3A_377 : vector<16xi32>
      %get3A_379 = arith.constant 0 : i32
      %get3A_380 = arith.constant 0 : i32
      %get3A_381 = tpu.memref_slice %arg4[%scan3A_138, %get3A_379, %get3A_380] : memref<4x8x512xi32, #tpu.memory_space<vmem>> -> memref<1x8x512xi32, #tpu.memory_space<vmem>>
      %get3A_382 = tpu.memref_squeeze %get3A_381 : memref<1x8x512xi32, #tpu.memory_space<vmem>> -> memref<8x512xi32, #tpu.memory_space<vmem>>
      %get3A_383 = arith.index_cast %scan3A_195 : i32 to index
      %get3A_384 = arith.constant 320 : index
      %get3A_385 = tpu.vector_load %get3A_382[%get3A_383, %get3A_384] {strides = array<i32>} : memref<8x512xi32, #tpu.memory_space<vmem>>, vector<1x16xi32>,
      %get3A_386 = vector.shape_cast %get3A_385 : vector<1x16xi32> to vector<16xi32>
      %add3A_387 = arith.addi %add3A_351, %get3A_386 : vector<16xi32>
      %get3A_388 = arith.constant 0 : i32
      %get3A_389 = arith.constant 0 : i32
      %get3A_390 = tpu.memref_slice %arg4[%scan3A_138, %get3A_388, %get3A_389] : memref<4x8x512xi32, #tpu.memory_space<vmem>> -> memref<1x8x512xi32, #tpu.memory_space<vmem>>
      %get3A_391 = tpu.memref_squeeze %get3A_390 : memref<1x8x512xi32, #tpu.memory_space<vmem>> -> memref<8x512xi32, #tpu.memory_space<vmem>>
      %get3A_392 = arith.index_cast %scan3A_195 : i32 to index
      %get3A_393 = arith.constant 336 : index
      %get3A_394 = tpu.vector_load %get3A_391[%get3A_392, %get3A_393] {strides = array<i32>} : memref<8x512xi32, #tpu.memory_space<vmem>>, vector<1x16xi32>,
      %get3A_395 = vector.shape_cast %get3A_394 : vector<1x16xi32> to vector<16xi32>
      %add3A_396 = arith.addi %add3A_360, %get3A_395 : vector<16xi32>
      %get3A_397 = arith.constant 0 : i32
      %get3A_398 = arith.constant 0 : i32
      %get3A_399 = tpu.memref_slice %arg4[%scan3A_138, %get3A_397, %get3A_398] : memref<4x8x512xi32, #tpu.memory_space<vmem>> -> memref<1x8x512xi32, #tpu.memory_space<vmem>>
      %get3A_400 = tpu.memref_squeeze %get3A_399 : memref<1x8x512xi32, #tpu.memory_space<vmem>> -> memref<8x512xi32, #tpu.memory_space<vmem>>
      %get3A_401 = arith.index_cast %scan3A_195 : i32 to index
      %get3A_402 = arith.constant 352 : index
      %get3A_403 = tpu.vector_load %get3A_400[%get3A_401, %get3A_402] {strides = array<i32>} : memref<8x512xi32, #tpu.memory_space<vmem>>, vector<1x16xi32>,
      %get3A_404 = vector.shape_cast %get3A_403 : vector<1x16xi32> to vector<16xi32>
      %add3A_405 = arith.addi %add3A_369, %get3A_404 : vector<16xi32>
      %get3A_406 = arith.constant 0 : i32
      %get3A_407 = arith.constant 0 : i32
      %get3A_408 = tpu.memref_slice %arg4[%scan3A_138, %get3A_406, %get3A_407] : memref<4x8x512xi32, #tpu.memory_space<vmem>> -> memref<1x8x512xi32, #tpu.memory_space<vmem>>
      %get3A_409 = tpu.memref_squeeze %get3A_408 : memref<1x8x512xi32, #tpu.memory_space<vmem>> -> memref<8x512xi32, #tpu.memory_space<vmem>>
      %get3A_410 = arith.index_cast %scan3A_195 : i32 to index
      %get3A_411 = arith.constant 368 : index
      %get3A_412 = tpu.vector_load %get3A_409[%get3A_410, %get3A_411] {strides = array<i32>} : memref<8x512xi32, #tpu.memory_space<vmem>>, vector<1x16xi32>,
      %get3A_413 = vector.shape_cast %get3A_412 : vector<1x16xi32> to vector<16xi32>
      %add3A_414 = arith.addi %add3A_378, %get3A_413 : vector<16xi32>
      %get3A_415 = arith.constant 0 : i32
      %get3A_416 = arith.constant 0 : i32
      %get3A_417 = tpu.memref_slice %arg4[%scan3A_138, %get3A_415, %get3A_416] : memref<4x8x512xi32, #tpu.memory_space<vmem>> -> memref<1x8x512xi32, #tpu.memory_space<vmem>>
      %get3A_418 = tpu.memref_squeeze %get3A_417 : memref<1x8x512xi32, #tpu.memory_space<vmem>> -> memref<8x512xi32, #tpu.memory_space<vmem>>
      %get3A_419 = arith.index_cast %scan3A_195 : i32 to index
      %get3A_420 = arith.constant 384 : index
      %get3A_421 = tpu.vector_load %get3A_418[%get3A_419, %get3A_420] {strides = array<i32>} : memref<8x512xi32, #tpu.memory_space<vmem>>, vector<1x16xi32>,
      %get3A_422 = vector.shape_cast %get3A_421 : vector<1x16xi32> to vector<16xi32>
      %add3A_423 = arith.addi %add3A_387, %get3A_422 : vector<16xi32>
      %get3A_424 = arith.constant 0 : i32
      %get3A_425 = arith.constant 0 : i32
      %get3A_426 = tpu.memref_slice %arg4[%scan3A_138, %get3A_424, %get3A_425] : memref<4x8x512xi32, #tpu.memory_space<vmem>> -> memref<1x8x512xi32, #tpu.memory_space<vmem>>
      %get3A_427 = tpu.memref_squeeze %get3A_426 : memref<1x8x512xi32, #tpu.memory_space<vmem>> -> memref<8x512xi32, #tpu.memory_space<vmem>>
      %get3A_428 = arith.index_cast %scan3A_195 : i32 to index
      %get3A_429 = arith.constant 400 : index
      %get3A_430 = tpu.vector_load %get3A_427[%get3A_428, %get3A_429] {strides = array<i32>} : memref<8x512xi32, #tpu.memory_space<vmem>>, vector<1x16xi32>,
      %get3A_431 = vector.shape_cast %get3A_430 : vector<1x16xi32> to vector<16xi32>
      %add3A_432 = arith.addi %add3A_396, %get3A_431 : vector<16xi32>
      %get3A_433 = arith.constant 0 : i32
      %get3A_434 = arith.constant 0 : i32
      %get3A_435 = tpu.memref_slice %arg4[%scan3A_138, %get3A_433, %get3A_434] : memref<4x8x512xi32, #tpu.memory_space<vmem>> -> memref<1x8x512xi32, #tpu.memory_space<vmem>>
      %get3A_436 = tpu.memref_squeeze %get3A_435 : memref<1x8x512xi32, #tpu.memory_space<vmem>> -> memref<8x512xi32, #tpu.memory_space<vmem>>
      %get3A_437 = arith.index_cast %scan3A_195 : i32 to index
      %get3A_438 = arith.constant 416 : index
      %get3A_439 = tpu.vector_load %get3A_436[%get3A_437, %get3A_438] {strides = array<i32>} : memref<8x512xi32, #tpu.memory_space<vmem>>, vector<1x16xi32>,
      %get3A_440 = vector.shape_cast %get3A_439 : vector<1x16xi32> to vector<16xi32>
      %add3A_441 = arith.addi %add3A_405, %get3A_440 : vector<16xi32>
      %get3A_442 = arith.constant 0 : i32
      %get3A_443 = arith.constant 0 : i32
      %get3A_444 = tpu.memref_slice %arg4[%scan3A_138, %get3A_442, %get3A_443] : memref<4x8x512xi32, #tpu.memory_space<vmem>> -> memref<1x8x512xi32, #tpu.memory_space<vmem>>
      %get3A_445 = tpu.memref_squeeze %get3A_444 : memref<1x8x512xi32, #tpu.memory_space<vmem>> -> memref<8x512xi32, #tpu.memory_space<vmem>>
      %get3A_446 = arith.index_cast %scan3A_195 : i32 to index
      %get3A_447 = arith.constant 432 : index
      %get3A_448 = tpu.vector_load %get3A_445[%get3A_446, %get3A_447] {strides = array<i32>} : memref<8x512xi32, #tpu.memory_space<vmem>>, vector<1x16xi32>,
      %get3A_449 = vector.shape_cast %get3A_448 : vector<1x16xi32> to vector<16xi32>
      %add3A_450 = arith.addi %add3A_414, %get3A_449 : vector<16xi32>
      %get3A_451 = arith.constant 0 : i32
      %get3A_452 = arith.constant 0 : i32
      %get3A_453 = tpu.memref_slice %arg4[%scan3A_138, %get3A_451, %get3A_452] : memref<4x8x512xi32, #tpu.memory_space<vmem>> -> memref<1x8x512xi32, #tpu.memory_space<vmem>>
      %get3A_454 = tpu.memref_squeeze %get3A_453 : memref<1x8x512xi32, #tpu.memory_space<vmem>> -> memref<8x512xi32, #tpu.memory_space<vmem>>
      %get3A_455 = arith.index_cast %scan3A_195 : i32 to index
      %get3A_456 = arith.constant 448 : index
      %get3A_457 = tpu.vector_load %get3A_454[%get3A_455, %get3A_456] {strides = array<i32>} : memref<8x512xi32, #tpu.memory_space<vmem>>, vector<1x16xi32>,
      %get3A_458 = vector.shape_cast %get3A_457 : vector<1x16xi32> to vector<16xi32>
      %add3A_459 = arith.addi %add3A_423, %get3A_458 : vector<16xi32>
      %get3A_460 = arith.constant 0 : i32
      %get3A_461 = arith.constant 0 : i32
      %get3A_462 = tpu.memref_slice %arg4[%scan3A_138, %get3A_460, %get3A_461] : memref<4x8x512xi32, #tpu.memory_space<vmem>> -> memref<1x8x512xi32, #tpu.memory_space<vmem>>
      %get3A_463 = tpu.memref_squeeze %get3A_462 : memref<1x8x512xi32, #tpu.memory_space<vmem>> -> memref<8x512xi32, #tpu.memory_space<vmem>>
      %get3A_464 = arith.index_cast %scan3A_195 : i32 to index
      %get3A_465 = arith.constant 464 : index
      %get3A_466 = tpu.vector_load %get3A_463[%get3A_464, %get3A_465] {strides = array<i32>} : memref<8x512xi32, #tpu.memory_space<vmem>>, vector<1x16xi32>,
      %get3A_467 = vector.shape_cast %get3A_466 : vector<1x16xi32> to vector<16xi32>
      %add3A_468 = arith.addi %add3A_432, %get3A_467 : vector<16xi32>
      %get3A_469 = arith.constant 0 : i32
      %get3A_470 = arith.constant 0 : i32
      %get3A_471 = tpu.memref_slice %arg4[%scan3A_138, %get3A_469, %get3A_470] : memref<4x8x512xi32, #tpu.memory_space<vmem>> -> memref<1x8x512xi32, #tpu.memory_space<vmem>>
      %get3A_472 = tpu.memref_squeeze %get3A_471 : memref<1x8x512xi32, #tpu.memory_space<vmem>> -> memref<8x512xi32, #tpu.memory_space<vmem>>
      %get3A_473 = arith.index_cast %scan3A_195 : i32 to index
      %get3A_474 = arith.constant 480 : index
      %get3A_475 = tpu.vector_load %get3A_472[%get3A_473, %get3A_474] {strides = array<i32>} : memref<8x512xi32, #tpu.memory_space<vmem>>, vector<1x16xi32>,
      %get3A_476 = vector.shape_cast %get3A_475 : vector<1x16xi32> to vector<16xi32>
      %add3A_477 = arith.addi %add3A_441, %get3A_476 : vector<16xi32>
      %get3A_478 = arith.constant 0 : i32
      %get3A_479 = arith.constant 0 : i32
      %get3A_480 = tpu.memref_slice %arg4[%scan3A_138, %get3A_478, %get3A_479] : memref<4x8x512xi32, #tpu.memory_space<vmem>> -> memref<1x8x512xi32, #tpu.memory_space<vmem>>
      %get3A_481 = tpu.memref_squeeze %get3A_480 : memref<1x8x512xi32, #tpu.memory_space<vmem>> -> memref<8x512xi32, #tpu.memory_space<vmem>>
      %get3A_482 = arith.index_cast %scan3A_195 : i32 to index
      %get3A_483 = arith.constant 496 : index
      %get3A_484 = tpu.vector_load %get3A_481[%get3A_482, %get3A_483] {strides = array<i32>} : memref<8x512xi32, #tpu.memory_space<vmem>>, vector<1x16xi32>,
      %get3A_485 = vector.shape_cast %get3A_484 : vector<1x16xi32> to vector<16xi32>
      %add3A_486 = arith.addi %add3A_450, %get3A_485 : vector<16xi32>
      scf.yield %add3A_459, %add3A_468, %add3A_477, %add3A_486 : vector<16xi32>, vector<16xi32>, vector<16xi32>, vector<16xi32>
    }
    %scan3A_144 = arith.constant 8 : i32
    %dma_wait3A_145 = arith.constant 2 : i32
    %dma_wait3A_146 = arith.constant 0 : i32
    %dma_wait3A_147 = arith.constant 0 : i32
    %dma_wait3A_148 = tpu.memref_slice %arg4[%dma_wait3A_145, %dma_wait3A_146, %dma_wait3A_147] : memref<4x8x512xi32, #tpu.memory_space<vmem>> -> memref<1x8x512xi32, #tpu.memory_space<vmem>>
    %dma_wait3A_149 = tpu.memref_squeeze %dma_wait3A_148 : memref<1x8x512xi32, #tpu.memory_space<vmem>> -> memref<8x512xi32, #tpu.memory_space<vmem>>
    %dma_wait3A_150 = arith.constant 0 : i32
    %dma_wait3A_151 = tpu.memref_slice %arg2[%add3A_18, %add3A_70, %dma_wait3A_150] : memref<8x512x512xi32, #tpu.memory_space<hbm>> -> memref<1x8x512xi32, #tpu.memory_space<hbm>>
    %dma_wait3A_152 = tpu.memref_squeeze %dma_wait3A_151 : memref<1x8x512xi32, #tpu.memory_space<hbm>> -> memref<8x512xi32, #tpu.memory_space<hbm>>
    %dma_wait3A_153 = arith.constant 0 : i32
    %dma_wait3A_154 = arith.constant 0 : i32
    %dma_wait3A_155 = tpu.memref_slice %arg4[%dma_wait3A_145, %dma_wait3A_153, %dma_wait3A_154] : memref<4x8x512xi32, #tpu.memory_space<vmem>> -> memref<1x8x512xi32, #tpu.memory_space<vmem>>
    %dma_wait3A_156 = tpu.memref_squeeze %dma_wait3A_155 : memref<1x8x512xi32, #tpu.memory_space<vmem>> -> memref<8x512xi32, #tpu.memory_space<vmem>>
    %dma_wait3A_157 = arith.constant 0 : i32
    %dma_wait3A_158 = tpu.memref_slice %arg2[%add3A_18, %add3A_70, %dma_wait3A_157] : memref<8x512x512xi32, #tpu.memory_space<hbm>> -> memref<1x8x512xi32, #tpu.memory_space<hbm>>
    %dma_wait3A_159 = tpu.memref_squeeze %dma_wait3A_158 : memref<1x8x512xi32, #tpu.memory_space<hbm>> -> memref<8x512xi32, #tpu.memory_space<hbm>>
    tpu.wait_dma2 semaphore(%arg8 : memref<!tpu.dma_semaphore, #tpu.memory_space<semaphore_mem>>) src(%dma_wait3A_159 : memref<8x512xi32, #tpu.memory_space<hbm>>) dst(%dma_wait3A_156 : memref<8x512xi32, #tpu.memory_space<vmem>>)
    %scan3A_160 = arith.constant 2 : i32
    %scan3A_161 = arith.constant 0 : i32
    %scan3A_162 = arith.constant 8 : i32
    %scan3A_163 = arith.addi %scan3A_161, %scan3A_162 : i32
    %scan3A_164 = arith.constant 1 : i32
    %scan3A_165:4 = scf.for %scan3A_195 = %scan3A_161 to %scan3A_163 step %scan3A_164 iter_args(%scan3A_196 = %scan3A_143#0, %scan3A_197 = %scan3A_143#1, %scan3A_198 = %scan3A_143#2, %scan3A_199 = %scan3A_143#3) -> (vector<16xi32>, vector<16xi32>, vector<16xi32>, vector<16xi32>)  : i32 {
      %get3A = arith.constant 0 : i32
      %get3A_200 = arith.constant 0 : i32
      %get3A_201 = tpu.memref_slice %arg4[%scan3A_160, %get3A, %get3A_200] : memref<4x8x512xi32, #tpu.memory_space<vmem>> -> memref<1x8x512xi32, #tpu.memory_space<vmem>>
      %get3A_202 = tpu.memref_squeeze %get3A_201 : memref<1x8x512xi32, #tpu.memory_space<vmem>> -> memref<8x512xi32, #tpu.memory_space<vmem>>
      %get3A_203 = arith.index_cast %scan3A_195 : i32 to index
      %get3A_204 = arith.constant 0 : index
      %get3A_205 = tpu.vector_load %get3A_202[%get3A_203, %get3A_204] {strides = array<i32>} : memref<8x512xi32, #tpu.memory_space<vmem>>, vector<1x16xi32>,
      %get3A_206 = vector.shape_cast %get3A_205 : vector<1x16xi32> to vector<16xi32>
      %add3A_207 = arith.addi %scan3A_196, %get3A_206 : vector<16xi32>
      %get3A_208 = arith.constant 0 : i32
      %get3A_209 = arith.constant 0 : i32
      %get3A_210 = tpu.memref_slice %arg4[%scan3A_160, %get3A_208, %get3A_209] : memref<4x8x512xi32, #tpu.memory_space<vmem>> -> memref<1x8x512xi32, #tpu.memory_space<vmem>>
      %get3A_211 = tpu.memref_squeeze %get3A_210 : memref<1x8x512xi32, #tpu.memory_space<vmem>> -> memref<8x512xi32, #tpu.memory_space<vmem>>
      %get3A_212 = arith.index_cast %scan3A_195 : i32 to index
      %get3A_213 = arith.constant 16 : index
      %get3A_214 = tpu.vector_load %get3A_211[%get3A_212, %get3A_213] {strides = array<i32>} : memref<8x512xi32, #tpu.memory_space<vmem>>, vector<1x16xi32>,
      %get3A_215 = vector.shape_cast %get3A_214 : vector<1x16xi32> to vector<16xi32>
      %add3A_216 = arith.addi %scan3A_197, %get3A_215 : vector<16xi32>
      %get3A_217 = arith.constant 0 : i32
      %get3A_218 = arith.constant 0 : i32
      %get3A_219 = tpu.memref_slice %arg4[%scan3A_160, %get3A_217, %get3A_218] : memref<4x8x512xi32, #tpu.memory_space<vmem>> -> memref<1x8x512xi32, #tpu.memory_space<vmem>>
      %get3A_220 = tpu.memref_squeeze %get3A_219 : memref<1x8x512xi32, #tpu.memory_space<vmem>> -> memref<8x512xi32, #tpu.memory_space<vmem>>
      %get3A_221 = arith.index_cast %scan3A_195 : i32 to index
      %get3A_222 = arith.constant 32 : index
      %get3A_223 = tpu.vector_load %get3A_220[%get3A_221, %get3A_222] {strides = array<i32>} : memref<8x512xi32, #tpu.memory_space<vmem>>, vector<1x16xi32>,
      %get3A_224 = vector.shape_cast %get3A_223 : vector<1x16xi32> to vector<16xi32>
      %add3A_225 = arith.addi %scan3A_198, %get3A_224 : vector<16xi32>
      %get3A_226 = arith.constant 0 : i32
      %get3A_227 = arith.constant 0 : i32
      %get3A_228 = tpu.memref_slice %arg4[%scan3A_160, %get3A_226, %get3A_227] : memref<4x8x512xi32, #tpu.memory_space<vmem>> -> memref<1x8x512xi32, #tpu.memory_space<vmem>>
      %get3A_229 = tpu.memref_squeeze %get3A_228 : memref<1x8x512xi32, #tpu.memory_space<vmem>> -> memref<8x512xi32, #tpu.memory_space<vmem>>
      %get3A_230 = arith.index_cast %scan3A_195 : i32 to index
      %get3A_231 = arith.constant 48 : index
      %get3A_232 = tpu.vector_load %get3A_229[%get3A_230, %get3A_231] {strides = array<i32>} : memref<8x512xi32, #tpu.memory_space<vmem>>, vector<1x16xi32>,
      %get3A_233 = vector.shape_cast %get3A_232 : vector<1x16xi32> to vector<16xi32>
      %add3A_234 = arith.addi %scan3A_199, %get3A_233 : vector<16xi32>
      %get3A_235 = arith.constant 0 : i32
      %get3A_236 = arith.constant 0 : i32
      %get3A_237 = tpu.memref_slice %arg4[%scan3A_160, %get3A_235, %get3A_236] : memref<4x8x512xi32, #tpu.memory_space<vmem>> -> memref<1x8x512xi32, #tpu.memory_space<vmem>>
      %get3A_238 = tpu.memref_squeeze %get3A_237 : memref<1x8x512xi32, #tpu.memory_space<vmem>> -> memref<8x512xi32, #tpu.memory_space<vmem>>
      %get3A_239 = arith.index_cast %scan3A_195 : i32 to index
      %get3A_240 = arith.constant 64 : index
      %get3A_241 = tpu.vector_load %get3A_238[%get3A_239, %get3A_240] {strides = array<i32>} : memref<8x512xi32, #tpu.memory_space<vmem>>, vector<1x16xi32>,
      %get3A_242 = vector.shape_cast %get3A_241 : vector<1x16xi32> to vector<16xi32>
      %add3A_243 = arith.addi %add3A_207, %get3A_242 : vector<16xi32>
      %get3A_244 = arith.constant 0 : i32
      %get3A_245 = arith.constant 0 : i32
      %get3A_246 = tpu.memref_slice %arg4[%scan3A_160, %get3A_244, %get3A_245] : memref<4x8x512xi32, #tpu.memory_space<vmem>> -> memref<1x8x512xi32, #tpu.memory_space<vmem>>
      %get3A_247 = tpu.memref_squeeze %get3A_246 : memref<1x8x512xi32, #tpu.memory_space<vmem>> -> memref<8x512xi32, #tpu.memory_space<vmem>>
      %get3A_248 = arith.index_cast %scan3A_195 : i32 to index
      %get3A_249 = arith.constant 80 : index
      %get3A_250 = tpu.vector_load %get3A_247[%get3A_248, %get3A_249] {strides = array<i32>} : memref<8x512xi32, #tpu.memory_space<vmem>>, vector<1x16xi32>,
      %get3A_251 = vector.shape_cast %get3A_250 : vector<1x16xi32> to vector<16xi32>
      %add3A_252 = arith.addi %add3A_216, %get3A_251 : vector<16xi32>
      %get3A_253 = arith.constant 0 : i32
      %get3A_254 = arith.constant 0 : i32
      %get3A_255 = tpu.memref_slice %arg4[%scan3A_160, %get3A_253, %get3A_254] : memref<4x8x512xi32, #tpu.memory_space<vmem>> -> memref<1x8x512xi32, #tpu.memory_space<vmem>>
      %get3A_256 = tpu.memref_squeeze %get3A_255 : memref<1x8x512xi32, #tpu.memory_space<vmem>> -> memref<8x512xi32, #tpu.memory_space<vmem>>
      %get3A_257 = arith.index_cast %scan3A_195 : i32 to index
      %get3A_258 = arith.constant 96 : index
      %get3A_259 = tpu.vector_load %get3A_256[%get3A_257, %get3A_258] {strides = array<i32>} : memref<8x512xi32, #tpu.memory_space<vmem>>, vector<1x16xi32>,
      %get3A_260 = vector.shape_cast %get3A_259 : vector<1x16xi32> to vector<16xi32>
      %add3A_261 = arith.addi %add3A_225, %get3A_260 : vector<16xi32>
      %get3A_262 = arith.constant 0 : i32
      %get3A_263 = arith.constant 0 : i32
      %get3A_264 = tpu.memref_slice %arg4[%scan3A_160, %get3A_262, %get3A_263] : memref<4x8x512xi32, #tpu.memory_space<vmem>> -> memref<1x8x512xi32, #tpu.memory_space<vmem>>
      %get3A_265 = tpu.memref_squeeze %get3A_264 : memref<1x8x512xi32, #tpu.memory_space<vmem>> -> memref<8x512xi32, #tpu.memory_space<vmem>>
      %get3A_266 = arith.index_cast %scan3A_195 : i32 to index
      %get3A_267 = arith.constant 112 : index
      %get3A_268 = tpu.vector_load %get3A_265[%get3A_266, %get3A_267] {strides = array<i32>} : memref<8x512xi32, #tpu.memory_space<vmem>>, vector<1x16xi32>,
      %get3A_269 = vector.shape_cast %get3A_268 : vector<1x16xi32> to vector<16xi32>
      %add3A_270 = arith.addi %add3A_234, %get3A_269 : vector<16xi32>
      %get3A_271 = arith.constant 0 : i32
      %get3A_272 = arith.constant 0 : i32
      %get3A_273 = tpu.memref_slice %arg4[%scan3A_160, %get3A_271, %get3A_272] : memref<4x8x512xi32, #tpu.memory_space<vmem>> -> memref<1x8x512xi32, #tpu.memory_space<vmem>>
      %get3A_274 = tpu.memref_squeeze %get3A_273 : memref<1x8x512xi32, #tpu.memory_space<vmem>> -> memref<8x512xi32, #tpu.memory_space<vmem>>
      %get3A_275 = arith.index_cast %scan3A_195 : i32 to index
      %get3A_276 = arith.constant 128 : index
      %get3A_277 = tpu.vector_load %get3A_274[%get3A_275, %get3A_276] {strides = array<i32>} : memref<8x512xi32, #tpu.memory_space<vmem>>, vector<1x16xi32>,
      %get3A_278 = vector.shape_cast %get3A_277 : vector<1x16xi32> to vector<16xi32>
      %add3A_279 = arith.addi %add3A_243, %get3A_278 : vector<16xi32>
      %get3A_280 = arith.constant 0 : i32
      %get3A_281 = arith.constant 0 : i32
      %get3A_282 = tpu.memref_slice %arg4[%scan3A_160, %get3A_280, %get3A_281] : memref<4x8x512xi32, #tpu.memory_space<vmem>> -> memref<1x8x512xi32, #tpu.memory_space<vmem>>
      %get3A_283 = tpu.memref_squeeze %get3A_282 : memref<1x8x512xi32, #tpu.memory_space<vmem>> -> memref<8x512xi32, #tpu.memory_space<vmem>>
      %get3A_284 = arith.index_cast %scan3A_195 : i32 to index
      %get3A_285 = arith.constant 144 : index
      %get3A_286 = tpu.vector_load %get3A_283[%get3A_284, %get3A_285] {strides = array<i32>} : memref<8x512xi32, #tpu.memory_space<vmem>>, vector<1x16xi32>,
      %get3A_287 = vector.shape_cast %get3A_286 : vector<1x16xi32> to vector<16xi32>
      %add3A_288 = arith.addi %add3A_252, %get3A_287 : vector<16xi32>
      %get3A_289 = arith.constant 0 : i32
      %get3A_290 = arith.constant 0 : i32
      %get3A_291 = tpu.memref_slice %arg4[%scan3A_160, %get3A_289, %get3A_290] : memref<4x8x512xi32, #tpu.memory_space<vmem>> -> memref<1x8x512xi32, #tpu.memory_space<vmem>>
      %get3A_292 = tpu.memref_squeeze %get3A_291 : memref<1x8x512xi32, #tpu.memory_space<vmem>> -> memref<8x512xi32, #tpu.memory_space<vmem>>
      %get3A_293 = arith.index_cast %scan3A_195 : i32 to index
      %get3A_294 = arith.constant 160 : index
      %get3A_295 = tpu.vector_load %get3A_292[%get3A_293, %get3A_294] {strides = array<i32>} : memref<8x512xi32, #tpu.memory_space<vmem>>, vector<1x16xi32>,
      %get3A_296 = vector.shape_cast %get3A_295 : vector<1x16xi32> to vector<16xi32>
      %add3A_297 = arith.addi %add3A_261, %get3A_296 : vector<16xi32>
      %get3A_298 = arith.constant 0 : i32
      %get3A_299 = arith.constant 0 : i32
      %get3A_300 = tpu.memref_slice %arg4[%scan3A_160, %get3A_298, %get3A_299] : memref<4x8x512xi32, #tpu.memory_space<vmem>> -> memref<1x8x512xi32, #tpu.memory_space<vmem>>
      %get3A_301 = tpu.memref_squeeze %get3A_300 : memref<1x8x512xi32, #tpu.memory_space<vmem>> -> memref<8x512xi32, #tpu.memory_space<vmem>>
      %get3A_302 = arith.index_cast %scan3A_195 : i32 to index
      %get3A_303 = arith.constant 176 : index
      %get3A_304 = tpu.vector_load %get3A_301[%get3A_302, %get3A_303] {strides = array<i32>} : memref<8x512xi32, #tpu.memory_space<vmem>>, vector<1x16xi32>,
      %get3A_305 = vector.shape_cast %get3A_304 : vector<1x16xi32> to vector<16xi32>
      %add3A_306 = arith.addi %add3A_270, %get3A_305 : vector<16xi32>
      %get3A_307 = arith.constant 0 : i32
      %get3A_308 = arith.constant 0 : i32
      %get3A_309 = tpu.memref_slice %arg4[%scan3A_160, %get3A_307, %get3A_308] : memref<4x8x512xi32, #tpu.memory_space<vmem>> -> memref<1x8x512xi32, #tpu.memory_space<vmem>>
      %get3A_310 = tpu.memref_squeeze %get3A_309 : memref<1x8x512xi32, #tpu.memory_space<vmem>> -> memref<8x512xi32, #tpu.memory_space<vmem>>
      %get3A_311 = arith.index_cast %scan3A_195 : i32 to index
      %get3A_312 = arith.constant 192 : index
      %get3A_313 = tpu.vector_load %get3A_310[%get3A_311, %get3A_312] {strides = array<i32>} : memref<8x512xi32, #tpu.memory_space<vmem>>, vector<1x16xi32>,
      %get3A_314 = vector.shape_cast %get3A_313 : vector<1x16xi32> to vector<16xi32>
      %add3A_315 = arith.addi %add3A_279, %get3A_314 : vector<16xi32>
      %get3A_316 = arith.constant 0 : i32
      %get3A_317 = arith.constant 0 : i32
      %get3A_318 = tpu.memref_slice %arg4[%scan3A_160, %get3A_316, %get3A_317] : memref<4x8x512xi32, #tpu.memory_space<vmem>> -> memref<1x8x512xi32, #tpu.memory_space<vmem>>
      %get3A_319 = tpu.memref_squeeze %get3A_318 : memref<1x8x512xi32, #tpu.memory_space<vmem>> -> memref<8x512xi32, #tpu.memory_space<vmem>>
      %get3A_320 = arith.index_cast %scan3A_195 : i32 to index
      %get3A_321 = arith.constant 208 : index
      %get3A_322 = tpu.vector_load %get3A_319[%get3A_320, %get3A_321] {strides = array<i32>} : memref<8x512xi32, #tpu.memory_space<vmem>>, vector<1x16xi32>,
      %get3A_323 = vector.shape_cast %get3A_322 : vector<1x16xi32> to vector<16xi32>
      %add3A_324 = arith.addi %add3A_288, %get3A_323 : vector<16xi32>
      %get3A_325 = arith.constant 0 : i32
      %get3A_326 = arith.constant 0 : i32
      %get3A_327 = tpu.memref_slice %arg4[%scan3A_160, %get3A_325, %get3A_326] : memref<4x8x512xi32, #tpu.memory_space<vmem>> -> memref<1x8x512xi32, #tpu.memory_space<vmem>>
      %get3A_328 = tpu.memref_squeeze %get3A_327 : memref<1x8x512xi32, #tpu.memory_space<vmem>> -> memref<8x512xi32, #tpu.memory_space<vmem>>
      %get3A_329 = arith.index_cast %scan3A_195 : i32 to index
      %get3A_330 = arith.constant 224 : index
      %get3A_331 = tpu.vector_load %get3A_328[%get3A_329, %get3A_330] {strides = array<i32>} : memref<8x512xi32, #tpu.memory_space<vmem>>, vector<1x16xi32>,
      %get3A_332 = vector.shape_cast %get3A_331 : vector<1x16xi32> to vector<16xi32>
      %add3A_333 = arith.addi %add3A_297, %get3A_332 : vector<16xi32>
      %get3A_334 = arith.constant 0 : i32
      %get3A_335 = arith.constant 0 : i32
      %get3A_336 = tpu.memref_slice %arg4[%scan3A_160, %get3A_334, %get3A_335] : memref<4x8x512xi32, #tpu.memory_space<vmem>> -> memref<1x8x512xi32, #tpu.memory_space<vmem>>
      %get3A_337 = tpu.memref_squeeze %get3A_336 : memref<1x8x512xi32, #tpu.memory_space<vmem>> -> memref<8x512xi32, #tpu.memory_space<vmem>>
      %get3A_338 = arith.index_cast %scan3A_195 : i32 to index
      %get3A_339 = arith.constant 240 : index
      %get3A_340 = tpu.vector_load %get3A_337[%get3A_338, %get3A_339] {strides = array<i32>} : memref<8x512xi32, #tpu.memory_space<vmem>>, vector<1x16xi32>,
      %get3A_341 = vector.shape_cast %get3A_340 : vector<1x16xi32> to vector<16xi32>
      %add3A_342 = arith.addi %add3A_306, %get3A_341 : vector<16xi32>
      %get3A_343 = arith.constant 0 : i32
      %get3A_344 = arith.constant 0 : i32
      %get3A_345 = tpu.memref_slice %arg4[%scan3A_160, %get3A_343, %get3A_344] : memref<4x8x512xi32, #tpu.memory_space<vmem>> -> memref<1x8x512xi32, #tpu.memory_space<vmem>>
      %get3A_346 = tpu.memref_squeeze %get3A_345 : memref<1x8x512xi32, #tpu.memory_space<vmem>> -> memref<8x512xi32, #tpu.memory_space<vmem>>
      %get3A_347 = arith.index_cast %scan3A_195 : i32 to index
      %get3A_348 = arith.constant 256 : index
      %get3A_349 = tpu.vector_load %get3A_346[%get3A_347, %get3A_348] {strides = array<i32>} : memref<8x512xi32, #tpu.memory_space<vmem>>, vector<1x16xi32>,
      %get3A_350 = vector.shape_cast %get3A_349 : vector<1x16xi32> to vector<16xi32>
      %add3A_351 = arith.addi %add3A_315, %get3A_350 : vector<16xi32>
      %get3A_352 = arith.constant 0 : i32
      %get3A_353 = arith.constant 0 : i32
      %get3A_354 = tpu.memref_slice %arg4[%scan3A_160, %get3A_352, %get3A_353] : memref<4x8x512xi32, #tpu.memory_space<vmem>> -> memref<1x8x512xi32, #tpu.memory_space<vmem>>
      %get3A_355 = tpu.memref_squeeze %get3A_354 : memref<1x8x512xi32, #tpu.memory_space<vmem>> -> memref<8x512xi32, #tpu.memory_space<vmem>>
      %get3A_356 = arith.index_cast %scan3A_195 : i32 to index
      %get3A_357 = arith.constant 272 : index
      %get3A_358 = tpu.vector_load %get3A_355[%get3A_356, %get3A_357] {strides = array<i32>} : memref<8x512xi32, #tpu.memory_space<vmem>>, vector<1x16xi32>,
      %get3A_359 = vector.shape_cast %get3A_358 : vector<1x16xi32> to vector<16xi32>
      %add3A_360 = arith.addi %add3A_324, %get3A_359 : vector<16xi32>
      %get3A_361 = arith.constant 0 : i32
      %get3A_362 = arith.constant 0 : i32
      %get3A_363 = tpu.memref_slice %arg4[%scan3A_160, %get3A_361, %get3A_362] : memref<4x8x512xi32, #tpu.memory_space<vmem>> -> memref<1x8x512xi32, #tpu.memory_space<vmem>>
      %get3A_364 = tpu.memref_squeeze %get3A_363 : memref<1x8x512xi32, #tpu.memory_space<vmem>> -> memref<8x512xi32, #tpu.memory_space<vmem>>
      %get3A_365 = arith.index_cast %scan3A_195 : i32 to index
      %get3A_366 = arith.constant 288 : index
      %get3A_367 = tpu.vector_load %get3A_364[%get3A_365, %get3A_366] {strides = array<i32>} : memref<8x512xi32, #tpu.memory_space<vmem>>, vector<1x16xi32>,
      %get3A_368 = vector.shape_cast %get3A_367 : vector<1x16xi32> to vector<16xi32>
      %add3A_369 = arith.addi %add3A_333, %get3A_368 : vector<16xi32>
      %get3A_370 = arith.constant 0 : i32
      %get3A_371 = arith.constant 0 : i32
      %get3A_372 = tpu.memref_slice %arg4[%scan3A_160, %get3A_370, %get3A_371] : memref<4x8x512xi32, #tpu.memory_space<vmem>> -> memref<1x8x512xi32, #tpu.memory_space<vmem>>
      %get3A_373 = tpu.memref_squeeze %get3A_372 : memref<1x8x512xi32, #tpu.memory_space<vmem>> -> memref<8x512xi32, #tpu.memory_space<vmem>>
      %get3A_374 = arith.index_cast %scan3A_195 : i32 to index
      %get3A_375 = arith.constant 304 : index
      %get3A_376 = tpu.vector_load %get3A_373[%get3A_374, %get3A_375] {strides = array<i32>} : memref<8x512xi32, #tpu.memory_space<vmem>>, vector<1x16xi32>,
      %get3A_377 = vector.shape_cast %get3A_376 : vector<1x16xi32> to vector<16xi32>
      %add3A_378 = arith.addi %add3A_342, %get3A_377 : vector<16xi32>
      %get3A_379 = arith.constant 0 : i32
      %get3A_380 = arith.constant 0 : i32
      %get3A_381 = tpu.memref_slice %arg4[%scan3A_160, %get3A_379, %get3A_380] : memref<4x8x512xi32, #tpu.memory_space<vmem>> -> memref<1x8x512xi32, #tpu.memory_space<vmem>>
      %get3A_382 = tpu.memref_squeeze %get3A_381 : memref<1x8x512xi32, #tpu.memory_space<vmem>> -> memref<8x512xi32, #tpu.memory_space<vmem>>
      %get3A_383 = arith.index_cast %scan3A_195 : i32 to index
      %get3A_384 = arith.constant 320 : index
      %get3A_385 = tpu.vector_load %get3A_382[%get3A_383, %get3A_384] {strides = array<i32>} : memref<8x512xi32, #tpu.memory_space<vmem>>, vector<1x16xi32>,
      %get3A_386 = vector.shape_cast %get3A_385 : vector<1x16xi32> to vector<16xi32>
      %add3A_387 = arith.addi %add3A_351, %get3A_386 : vector<16xi32>
      %get3A_388 = arith.constant 0 : i32
      %get3A_389 = arith.constant 0 : i32
      %get3A_390 = tpu.memref_slice %arg4[%scan3A_160, %get3A_388, %get3A_389] : memref<4x8x512xi32, #tpu.memory_space<vmem>> -> memref<1x8x512xi32, #tpu.memory_space<vmem>>
      %get3A_391 = tpu.memref_squeeze %get3A_390 : memref<1x8x512xi32, #tpu.memory_space<vmem>> -> memref<8x512xi32, #tpu.memory_space<vmem>>
      %get3A_392 = arith.index_cast %scan3A_195 : i32 to index
      %get3A_393 = arith.constant 336 : index
      %get3A_394 = tpu.vector_load %get3A_391[%get3A_392, %get3A_393] {strides = array<i32>} : memref<8x512xi32, #tpu.memory_space<vmem>>, vector<1x16xi32>,
      %get3A_395 = vector.shape_cast %get3A_394 : vector<1x16xi32> to vector<16xi32>
      %add3A_396 = arith.addi %add3A_360, %get3A_395 : vector<16xi32>
      %get3A_397 = arith.constant 0 : i32
      %get3A_398 = arith.constant 0 : i32
      %get3A_399 = tpu.memref_slice %arg4[%scan3A_160, %get3A_397, %get3A_398] : memref<4x8x512xi32, #tpu.memory_space<vmem>> -> memref<1x8x512xi32, #tpu.memory_space<vmem>>
      %get3A_400 = tpu.memref_squeeze %get3A_399 : memref<1x8x512xi32, #tpu.memory_space<vmem>> -> memref<8x512xi32, #tpu.memory_space<vmem>>
      %get3A_401 = arith.index_cast %scan3A_195 : i32 to index
      %get3A_402 = arith.constant 352 : index
      %get3A_403 = tpu.vector_load %get3A_400[%get3A_401, %get3A_402] {strides = array<i32>} : memref<8x512xi32, #tpu.memory_space<vmem>>, vector<1x16xi32>,
      %get3A_404 = vector.shape_cast %get3A_403 : vector<1x16xi32> to vector<16xi32>
      %add3A_405 = arith.addi %add3A_369, %get3A_404 : vector<16xi32>
      %get3A_406 = arith.constant 0 : i32
      %get3A_407 = arith.constant 0 : i32
      %get3A_408 = tpu.memref_slice %arg4[%scan3A_160, %get3A_406, %get3A_407] : memref<4x8x512xi32, #tpu.memory_space<vmem>> -> memref<1x8x512xi32, #tpu.memory_space<vmem>>
      %get3A_409 = tpu.memref_squeeze %get3A_408 : memref<1x8x512xi32, #tpu.memory_space<vmem>> -> memref<8x512xi32, #tpu.memory_space<vmem>>
      %get3A_410 = arith.index_cast %scan3A_195 : i32 to index
      %get3A_411 = arith.constant 368 : index
      %get3A_412 = tpu.vector_load %get3A_409[%get3A_410, %get3A_411] {strides = array<i32>} : memref<8x512xi32, #tpu.memory_space<vmem>>, vector<1x16xi32>,
      %get3A_413 = vector.shape_cast %get3A_412 : vector<1x16xi32> to vector<16xi32>
      %add3A_414 = arith.addi %add3A_378, %get3A_413 : vector<16xi32>
      %get3A_415 = arith.constant 0 : i32
      %get3A_416 = arith.constant 0 : i32
      %get3A_417 = tpu.memref_slice %arg4[%scan3A_160, %get3A_415, %get3A_416] : memref<4x8x512xi32, #tpu.memory_space<vmem>> -> memref<1x8x512xi32, #tpu.memory_space<vmem>>
      %get3A_418 = tpu.memref_squeeze %get3A_417 : memref<1x8x512xi32, #tpu.memory_space<vmem>> -> memref<8x512xi32, #tpu.memory_space<vmem>>
      %get3A_419 = arith.index_cast %scan3A_195 : i32 to index
      %get3A_420 = arith.constant 384 : index
      %get3A_421 = tpu.vector_load %get3A_418[%get3A_419, %get3A_420] {strides = array<i32>} : memref<8x512xi32, #tpu.memory_space<vmem>>, vector<1x16xi32>,
      %get3A_422 = vector.shape_cast %get3A_421 : vector<1x16xi32> to vector<16xi32>
      %add3A_423 = arith.addi %add3A_387, %get3A_422 : vector<16xi32>
      %get3A_424 = arith.constant 0 : i32
      %get3A_425 = arith.constant 0 : i32
      %get3A_426 = tpu.memref_slice %arg4[%scan3A_160, %get3A_424, %get3A_425] : memref<4x8x512xi32, #tpu.memory_space<vmem>> -> memref<1x8x512xi32, #tpu.memory_space<vmem>>
      %get3A_427 = tpu.memref_squeeze %get3A_426 : memref<1x8x512xi32, #tpu.memory_space<vmem>> -> memref<8x512xi32, #tpu.memory_space<vmem>>
      %get3A_428 = arith.index_cast %scan3A_195 : i32 to index
      %get3A_429 = arith.constant 400 : index
      %get3A_430 = tpu.vector_load %get3A_427[%get3A_428, %get3A_429] {strides = array<i32>} : memref<8x512xi32, #tpu.memory_space<vmem>>, vector<1x16xi32>,
      %get3A_431 = vector.shape_cast %get3A_430 : vector<1x16xi32> to vector<16xi32>
      %add3A_432 = arith.addi %add3A_396, %get3A_431 : vector<16xi32>
      %get3A_433 = arith.constant 0 : i32
      %get3A_434 = arith.constant 0 : i32
      %get3A_435 = tpu.memref_slice %arg4[%scan3A_160, %get3A_433, %get3A_434] : memref<4x8x512xi32, #tpu.memory_space<vmem>> -> memref<1x8x512xi32, #tpu.memory_space<vmem>>
      %get3A_436 = tpu.memref_squeeze %get3A_435 : memref<1x8x512xi32, #tpu.memory_space<vmem>> -> memref<8x512xi32, #tpu.memory_space<vmem>>
      %get3A_437 = arith.index_cast %scan3A_195 : i32 to index
      %get3A_438 = arith.constant 416 : index
      %get3A_439 = tpu.vector_load %get3A_436[%get3A_437, %get3A_438] {strides = array<i32>} : memref<8x512xi32, #tpu.memory_space<vmem>>, vector<1x16xi32>,
      %get3A_440 = vector.shape_cast %get3A_439 : vector<1x16xi32> to vector<16xi32>
      %add3A_441 = arith.addi %add3A_405, %get3A_440 : vector<16xi32>
      %get3A_442 = arith.constant 0 : i32
      %get3A_443 = arith.constant 0 : i32
      %get3A_444 = tpu.memref_slice %arg4[%scan3A_160, %get3A_442, %get3A_443] : memref<4x8x512xi32, #tpu.memory_space<vmem>> -> memref<1x8x512xi32, #tpu.memory_space<vmem>>
      %get3A_445 = tpu.memref_squeeze %get3A_444 : memref<1x8x512xi32, #tpu.memory_space<vmem>> -> memref<8x512xi32, #tpu.memory_space<vmem>>
      %get3A_446 = arith.index_cast %scan3A_195 : i32 to index
      %get3A_447 = arith.constant 432 : index
      %get3A_448 = tpu.vector_load %get3A_445[%get3A_446, %get3A_447] {strides = array<i32>} : memref<8x512xi32, #tpu.memory_space<vmem>>, vector<1x16xi32>,
      %get3A_449 = vector.shape_cast %get3A_448 : vector<1x16xi32> to vector<16xi32>
      %add3A_450 = arith.addi %add3A_414, %get3A_449 : vector<16xi32>
      %get3A_451 = arith.constant 0 : i32
      %get3A_452 = arith.constant 0 : i32
      %get3A_453 = tpu.memref_slice %arg4[%scan3A_160, %get3A_451, %get3A_452] : memref<4x8x512xi32, #tpu.memory_space<vmem>> -> memref<1x8x512xi32, #tpu.memory_space<vmem>>
      %get3A_454 = tpu.memref_squeeze %get3A_453 : memref<1x8x512xi32, #tpu.memory_space<vmem>> -> memref<8x512xi32, #tpu.memory_space<vmem>>
      %get3A_455 = arith.index_cast %scan3A_195 : i32 to index
      %get3A_456 = arith.constant 448 : index
      %get3A_457 = tpu.vector_load %get3A_454[%get3A_455, %get3A_456] {strides = array<i32>} : memref<8x512xi32, #tpu.memory_space<vmem>>, vector<1x16xi32>,
      %get3A_458 = vector.shape_cast %get3A_457 : vector<1x16xi32> to vector<16xi32>
      %add3A_459 = arith.addi %add3A_423, %get3A_458 : vector<16xi32>
      %get3A_460 = arith.constant 0 : i32
      %get3A_461 = arith.constant 0 : i32
      %get3A_462 = tpu.memref_slice %arg4[%scan3A_160, %get3A_460, %get3A_461] : memref<4x8x512xi32, #tpu.memory_space<vmem>> -> memref<1x8x512xi32, #tpu.memory_space<vmem>>
      %get3A_463 = tpu.memref_squeeze %get3A_462 : memref<1x8x512xi32, #tpu.memory_space<vmem>> -> memref<8x512xi32, #tpu.memory_space<vmem>>
      %get3A_464 = arith.index_cast %scan3A_195 : i32 to index
      %get3A_465 = arith.constant 464 : index
      %get3A_466 = tpu.vector_load %get3A_463[%get3A_464, %get3A_465] {strides = array<i32>} : memref<8x512xi32, #tpu.memory_space<vmem>>, vector<1x16xi32>,
      %get3A_467 = vector.shape_cast %get3A_466 : vector<1x16xi32> to vector<16xi32>
      %add3A_468 = arith.addi %add3A_432, %get3A_467 : vector<16xi32>
      %get3A_469 = arith.constant 0 : i32
      %get3A_470 = arith.constant 0 : i32
      %get3A_471 = tpu.memref_slice %arg4[%scan3A_160, %get3A_469, %get3A_470] : memref<4x8x512xi32, #tpu.memory_space<vmem>> -> memref<1x8x512xi32, #tpu.memory_space<vmem>>
      %get3A_472 = tpu.memref_squeeze %get3A_471 : memref<1x8x512xi32, #tpu.memory_space<vmem>> -> memref<8x512xi32, #tpu.memory_space<vmem>>
      %get3A_473 = arith.index_cast %scan3A_195 : i32 to index
      %get3A_474 = arith.constant 480 : index
      %get3A_475 = tpu.vector_load %get3A_472[%get3A_473, %get3A_474] {strides = array<i32>} : memref<8x512xi32, #tpu.memory_space<vmem>>, vector<1x16xi32>,
      %get3A_476 = vector.shape_cast %get3A_475 : vector<1x16xi32> to vector<16xi32>
      %add3A_477 = arith.addi %add3A_441, %get3A_476 : vector<16xi32>
      %get3A_478 = arith.constant 0 : i32
      %get3A_479 = arith.constant 0 : i32
      %get3A_480 = tpu.memref_slice %arg4[%scan3A_160, %get3A_478, %get3A_479] : memref<4x8x512xi32, #tpu.memory_space<vmem>> -> memref<1x8x512xi32, #tpu.memory_space<vmem>>
      %get3A_481 = tpu.memref_squeeze %get3A_480 : memref<1x8x512xi32, #tpu.memory_space<vmem>> -> memref<8x512xi32, #tpu.memory_space<vmem>>
      %get3A_482 = arith.index_cast %scan3A_195 : i32 to index
      %get3A_483 = arith.constant 496 : index
      %get3A_484 = tpu.vector_load %get3A_481[%get3A_482, %get3A_483] {strides = array<i32>} : memref<8x512xi32, #tpu.memory_space<vmem>>, vector<1x16xi32>,
      %get3A_485 = vector.shape_cast %get3A_484 : vector<1x16xi32> to vector<16xi32>
      %add3A_486 = arith.addi %add3A_450, %get3A_485 : vector<16xi32>
      scf.yield %add3A_459, %add3A_468, %add3A_477, %add3A_486 : vector<16xi32>, vector<16xi32>, vector<16xi32>, vector<16xi32>
    }
    %scan3A_166 = arith.constant 8 : i32
    %dma_wait3A_167 = arith.constant 3 : i32
    %dma_wait3A_168 = arith.constant 0 : i32
    %dma_wait3A_169 = arith.constant 0 : i32
    %dma_wait3A_170 = tpu.memref_slice %arg4[%dma_wait3A_167, %dma_wait3A_168, %dma_wait3A_169] : memref<4x8x512xi32, #tpu.memory_space<vmem>> -> memref<1x8x512xi32, #tpu.memory_space<vmem>>
    %dma_wait3A_171 = tpu.memref_squeeze %dma_wait3A_170 : memref<1x8x512xi32, #tpu.memory_space<vmem>> -> memref<8x512xi32, #tpu.memory_space<vmem>>
    %dma_wait3A_172 = arith.constant 0 : i32
    %dma_wait3A_173 = tpu.memref_slice %arg2[%add3A_18, %add3A_87, %dma_wait3A_172] : memref<8x512x512xi32, #tpu.memory_space<hbm>> -> memref<1x8x512xi32, #tpu.memory_space<hbm>>
    %dma_wait3A_174 = tpu.memref_squeeze %dma_wait3A_173 : memref<1x8x512xi32, #tpu.memory_space<hbm>> -> memref<8x512xi32, #tpu.memory_space<hbm>>
    %dma_wait3A_175 = arith.constant 0 : i32
    %dma_wait3A_176 = arith.constant 0 : i32
    %dma_wait3A_177 = tpu.memref_slice %arg4[%dma_wait3A_167, %dma_wait3A_175, %dma_wait3A_176] : memref<4x8x512xi32, #tpu.memory_space<vmem>> -> memref<1x8x512xi32, #tpu.memory_space<vmem>>
    %dma_wait3A_178 = tpu.memref_squeeze %dma_wait3A_177 : memref<1x8x512xi32, #tpu.memory_space<vmem>> -> memref<8x512xi32, #tpu.memory_space<vmem>>
    %dma_wait3A_179 = arith.constant 0 : i32
    %dma_wait3A_180 = tpu.memref_slice %arg2[%add3A_18, %add3A_87, %dma_wait3A_179] : memref<8x512x512xi32, #tpu.memory_space<hbm>> -> memref<1x8x512xi32, #tpu.memory_space<hbm>>
    %dma_wait3A_181 = tpu.memref_squeeze %dma_wait3A_180 : memref<1x8x512xi32, #tpu.memory_space<hbm>> -> memref<8x512xi32, #tpu.memory_space<hbm>>
    tpu.wait_dma2 semaphore(%arg9 : memref<!tpu.dma_semaphore, #tpu.memory_space<semaphore_mem>>) src(%dma_wait3A_181 : memref<8x512xi32, #tpu.memory_space<hbm>>) dst(%dma_wait3A_178 : memref<8x512xi32, #tpu.memory_space<vmem>>)
    %scan3A_182 = arith.constant 3 : i32
    %scan3A_183 = arith.constant 0 : i32
    %scan3A_184 = arith.constant 8 : i32
    %scan3A_185 = arith.addi %scan3A_183, %scan3A_184 : i32
    %scan3A_186 = arith.constant 1 : i32
    %scan3A_187:4 = scf.for %scan3A_195 = %scan3A_183 to %scan3A_185 step %scan3A_186 iter_args(%scan3A_196 = %scan3A_165#0, %scan3A_197 = %scan3A_165#1, %scan3A_198 = %scan3A_165#2, %scan3A_199 = %scan3A_165#3) -> (vector<16xi32>, vector<16xi32>, vector<16xi32>, vector<16xi32>)  : i32 {
      %get3A = arith.constant 0 : i32
      %get3A_200 = arith.constant 0 : i32
      %get3A_201 = tpu.memref_slice %arg4[%scan3A_182, %get3A, %get3A_200] : memref<4x8x512xi32, #tpu.memory_space<vmem>> -> memref<1x8x512xi32, #tpu.memory_space<vmem>>
      %get3A_202 = tpu.memref_squeeze %get3A_201 : memref<1x8x512xi32, #tpu.memory_space<vmem>> -> memref<8x512xi32, #tpu.memory_space<vmem>>
      %get3A_203 = arith.index_cast %scan3A_195 : i32 to index
      %get3A_204 = arith.constant 0 : index
      %get3A_205 = tpu.vector_load %get3A_202[%get3A_203, %get3A_204] {strides = array<i32>} : memref<8x512xi32, #tpu.memory_space<vmem>>, vector<1x16xi32>,
      %get3A_206 = vector.shape_cast %get3A_205 : vector<1x16xi32> to vector<16xi32>
      %add3A_207 = arith.addi %scan3A_196, %get3A_206 : vector<16xi32>
      %get3A_208 = arith.constant 0 : i32
      %get3A_209 = arith.constant 0 : i32
      %get3A_210 = tpu.memref_slice %arg4[%scan3A_182, %get3A_208, %get3A_209] : memref<4x8x512xi32, #tpu.memory_space<vmem>> -> memref<1x8x512xi32, #tpu.memory_space<vmem>>
      %get3A_211 = tpu.memref_squeeze %get3A_210 : memref<1x8x512xi32, #tpu.memory_space<vmem>> -> memref<8x512xi32, #tpu.memory_space<vmem>>
      %get3A_212 = arith.index_cast %scan3A_195 : i32 to index
      %get3A_213 = arith.constant 16 : index
      %get3A_214 = tpu.vector_load %get3A_211[%get3A_212, %get3A_213] {strides = array<i32>} : memref<8x512xi32, #tpu.memory_space<vmem>>, vector<1x16xi32>,
      %get3A_215 = vector.shape_cast %get3A_214 : vector<1x16xi32> to vector<16xi32>
      %add3A_216 = arith.addi %scan3A_197, %get3A_215 : vector<16xi32>
      %get3A_217 = arith.constant 0 : i32
      %get3A_218 = arith.constant 0 : i32
      %get3A_219 = tpu.memref_slice %arg4[%scan3A_182, %get3A_217, %get3A_218] : memref<4x8x512xi32, #tpu.memory_space<vmem>> -> memref<1x8x512xi32, #tpu.memory_space<vmem>>
      %get3A_220 = tpu.memref_squeeze %get3A_219 : memref<1x8x512xi32, #tpu.memory_space<vmem>> -> memref<8x512xi32, #tpu.memory_space<vmem>>
      %get3A_221 = arith.index_cast %scan3A_195 : i32 to index
      %get3A_222 = arith.constant 32 : index
      %get3A_223 = tpu.vector_load %get3A_220[%get3A_221, %get3A_222] {strides = array<i32>} : memref<8x512xi32, #tpu.memory_space<vmem>>, vector<1x16xi32>,
      %get3A_224 = vector.shape_cast %get3A_223 : vector<1x16xi32> to vector<16xi32>
      %add3A_225 = arith.addi %scan3A_198, %get3A_224 : vector<16xi32>
      %get3A_226 = arith.constant 0 : i32
      %get3A_227 = arith.constant 0 : i32
      %get3A_228 = tpu.memref_slice %arg4[%scan3A_182, %get3A_226, %get3A_227] : memref<4x8x512xi32, #tpu.memory_space<vmem>> -> memref<1x8x512xi32, #tpu.memory_space<vmem>>
      %get3A_229 = tpu.memref_squeeze %get3A_228 : memref<1x8x512xi32, #tpu.memory_space<vmem>> -> memref<8x512xi32, #tpu.memory_space<vmem>>
      %get3A_230 = arith.index_cast %scan3A_195 : i32 to index
      %get3A_231 = arith.constant 48 : index
      %get3A_232 = tpu.vector_load %get3A_229[%get3A_230, %get3A_231] {strides = array<i32>} : memref<8x512xi32, #tpu.memory_space<vmem>>, vector<1x16xi32>,
      %get3A_233 = vector.shape_cast %get3A_232 : vector<1x16xi32> to vector<16xi32>
      %add3A_234 = arith.addi %scan3A_199, %get3A_233 : vector<16xi32>
      %get3A_235 = arith.constant 0 : i32
      %get3A_236 = arith.constant 0 : i32
      %get3A_237 = tpu.memref_slice %arg4[%scan3A_182, %get3A_235, %get3A_236] : memref<4x8x512xi32, #tpu.memory_space<vmem>> -> memref<1x8x512xi32, #tpu.memory_space<vmem>>
      %get3A_238 = tpu.memref_squeeze %get3A_237 : memref<1x8x512xi32, #tpu.memory_space<vmem>> -> memref<8x512xi32, #tpu.memory_space<vmem>>
      %get3A_239 = arith.index_cast %scan3A_195 : i32 to index
      %get3A_240 = arith.constant 64 : index
      %get3A_241 = tpu.vector_load %get3A_238[%get3A_239, %get3A_240] {strides = array<i32>} : memref<8x512xi32, #tpu.memory_space<vmem>>, vector<1x16xi32>,
      %get3A_242 = vector.shape_cast %get3A_241 : vector<1x16xi32> to vector<16xi32>
      %add3A_243 = arith.addi %add3A_207, %get3A_242 : vector<16xi32>
      %get3A_244 = arith.constant 0 : i32
      %get3A_245 = arith.constant 0 : i32
      %get3A_246 = tpu.memref_slice %arg4[%scan3A_182, %get3A_244, %get3A_245] : memref<4x8x512xi32, #tpu.memory_space<vmem>> -> memref<1x8x512xi32, #tpu.memory_space<vmem>>
      %get3A_247 = tpu.memref_squeeze %get3A_246 : memref<1x8x512xi32, #tpu.memory_space<vmem>> -> memref<8x512xi32, #tpu.memory_space<vmem>>
      %get3A_248 = arith.index_cast %scan3A_195 : i32 to index
      %get3A_249 = arith.constant 80 : index
      %get3A_250 = tpu.vector_load %get3A_247[%get3A_248, %get3A_249] {strides = array<i32>} : memref<8x512xi32, #tpu.memory_space<vmem>>, vector<1x16xi32>,
      %get3A_251 = vector.shape_cast %get3A_250 : vector<1x16xi32> to vector<16xi32>
      %add3A_252 = arith.addi %add3A_216, %get3A_251 : vector<16xi32>
      %get3A_253 = arith.constant 0 : i32
      %get3A_254 = arith.constant 0 : i32
      %get3A_255 = tpu.memref_slice %arg4[%scan3A_182, %get3A_253, %get3A_254] : memref<4x8x512xi32, #tpu.memory_space<vmem>> -> memref<1x8x512xi32, #tpu.memory_space<vmem>>
      %get3A_256 = tpu.memref_squeeze %get3A_255 : memref<1x8x512xi32, #tpu.memory_space<vmem>> -> memref<8x512xi32, #tpu.memory_space<vmem>>
      %get3A_257 = arith.index_cast %scan3A_195 : i32 to index
      %get3A_258 = arith.constant 96 : index
      %get3A_259 = tpu.vector_load %get3A_256[%get3A_257, %get3A_258] {strides = array<i32>} : memref<8x512xi32, #tpu.memory_space<vmem>>, vector<1x16xi32>,
      %get3A_260 = vector.shape_cast %get3A_259 : vector<1x16xi32> to vector<16xi32>
      %add3A_261 = arith.addi %add3A_225, %get3A_260 : vector<16xi32>
      %get3A_262 = arith.constant 0 : i32
      %get3A_263 = arith.constant 0 : i32
      %get3A_264 = tpu.memref_slice %arg4[%scan3A_182, %get3A_262, %get3A_263] : memref<4x8x512xi32, #tpu.memory_space<vmem>> -> memref<1x8x512xi32, #tpu.memory_space<vmem>>
      %get3A_265 = tpu.memref_squeeze %get3A_264 : memref<1x8x512xi32, #tpu.memory_space<vmem>> -> memref<8x512xi32, #tpu.memory_space<vmem>>
      %get3A_266 = arith.index_cast %scan3A_195 : i32 to index
      %get3A_267 = arith.constant 112 : index
      %get3A_268 = tpu.vector_load %get3A_265[%get3A_266, %get3A_267] {strides = array<i32>} : memref<8x512xi32, #tpu.memory_space<vmem>>, vector<1x16xi32>,
      %get3A_269 = vector.shape_cast %get3A_268 : vector<1x16xi32> to vector<16xi32>
      %add3A_270 = arith.addi %add3A_234, %get3A_269 : vector<16xi32>
      %get3A_271 = arith.constant 0 : i32
      %get3A_272 = arith.constant 0 : i32
      %get3A_273 = tpu.memref_slice %arg4[%scan3A_182, %get3A_271, %get3A_272] : memref<4x8x512xi32, #tpu.memory_space<vmem>> -> memref<1x8x512xi32, #tpu.memory_space<vmem>>
      %get3A_274 = tpu.memref_squeeze %get3A_273 : memref<1x8x512xi32, #tpu.memory_space<vmem>> -> memref<8x512xi32, #tpu.memory_space<vmem>>
      %get3A_275 = arith.index_cast %scan3A_195 : i32 to index
      %get3A_276 = arith.constant 128 : index
      %get3A_277 = tpu.vector_load %get3A_274[%get3A_275, %get3A_276] {strides = array<i32>} : memref<8x512xi32, #tpu.memory_space<vmem>>, vector<1x16xi32>,
      %get3A_278 = vector.shape_cast %get3A_277 : vector<1x16xi32> to vector<16xi32>
      %add3A_279 = arith.addi %add3A_243, %get3A_278 : vector<16xi32>
      %get3A_280 = arith.constant 0 : i32
      %get3A_281 = arith.constant 0 : i32
      %get3A_282 = tpu.memref_slice %arg4[%scan3A_182, %get3A_280, %get3A_281] : memref<4x8x512xi32, #tpu.memory_space<vmem>> -> memref<1x8x512xi32, #tpu.memory_space<vmem>>
      %get3A_283 = tpu.memref_squeeze %get3A_282 : memref<1x8x512xi32, #tpu.memory_space<vmem>> -> memref<8x512xi32, #tpu.memory_space<vmem>>
      %get3A_284 = arith.index_cast %scan3A_195 : i32 to index
      %get3A_285 = arith.constant 144 : index
      %get3A_286 = tpu.vector_load %get3A_283[%get3A_284, %get3A_285] {strides = array<i32>} : memref<8x512xi32, #tpu.memory_space<vmem>>, vector<1x16xi32>,
      %get3A_287 = vector.shape_cast %get3A_286 : vector<1x16xi32> to vector<16xi32>
      %add3A_288 = arith.addi %add3A_252, %get3A_287 : vector<16xi32>
      %get3A_289 = arith.constant 0 : i32
      %get3A_290 = arith.constant 0 : i32
      %get3A_291 = tpu.memref_slice %arg4[%scan3A_182, %get3A_289, %get3A_290] : memref<4x8x512xi32, #tpu.memory_space<vmem>> -> memref<1x8x512xi32, #tpu.memory_space<vmem>>
      %get3A_292 = tpu.memref_squeeze %get3A_291 : memref<1x8x512xi32, #tpu.memory_space<vmem>> -> memref<8x512xi32, #tpu.memory_space<vmem>>
      %get3A_293 = arith.index_cast %scan3A_195 : i32 to index
      %get3A_294 = arith.constant 160 : index
      %get3A_295 = tpu.vector_load %get3A_292[%get3A_293, %get3A_294] {strides = array<i32>} : memref<8x512xi32, #tpu.memory_space<vmem>>, vector<1x16xi32>,
      %get3A_296 = vector.shape_cast %get3A_295 : vector<1x16xi32> to vector<16xi32>
      %add3A_297 = arith.addi %add3A_261, %get3A_296 : vector<16xi32>
      %get3A_298 = arith.constant 0 : i32
      %get3A_299 = arith.constant 0 : i32
      %get3A_300 = tpu.memref_slice %arg4[%scan3A_182, %get3A_298, %get3A_299] : memref<4x8x512xi32, #tpu.memory_space<vmem>> -> memref<1x8x512xi32, #tpu.memory_space<vmem>>
      %get3A_301 = tpu.memref_squeeze %get3A_300 : memref<1x8x512xi32, #tpu.memory_space<vmem>> -> memref<8x512xi32, #tpu.memory_space<vmem>>
      %get3A_302 = arith.index_cast %scan3A_195 : i32 to index
      %get3A_303 = arith.constant 176 : index
      %get3A_304 = tpu.vector_load %get3A_301[%get3A_302, %get3A_303] {strides = array<i32>} : memref<8x512xi32, #tpu.memory_space<vmem>>, vector<1x16xi32>,
      %get3A_305 = vector.shape_cast %get3A_304 : vector<1x16xi32> to vector<16xi32>
      %add3A_306 = arith.addi %add3A_270, %get3A_305 : vector<16xi32>
      %get3A_307 = arith.constant 0 : i32
      %get3A_308 = arith.constant 0 : i32
      %get3A_309 = tpu.memref_slice %arg4[%scan3A_182, %get3A_307, %get3A_308] : memref<4x8x512xi32, #tpu.memory_space<vmem>> -> memref<1x8x512xi32, #tpu.memory_space<vmem>>
      %get3A_310 = tpu.memref_squeeze %get3A_309 : memref<1x8x512xi32, #tpu.memory_space<vmem>> -> memref<8x512xi32, #tpu.memory_space<vmem>>
      %get3A_311 = arith.index_cast %scan3A_195 : i32 to index
      %get3A_312 = arith.constant 192 : index
      %get3A_313 = tpu.vector_load %get3A_310[%get3A_311, %get3A_312] {strides = array<i32>} : memref<8x512xi32, #tpu.memory_space<vmem>>, vector<1x16xi32>,
      %get3A_314 = vector.shape_cast %get3A_313 : vector<1x16xi32> to vector<16xi32>
      %add3A_315 = arith.addi %add3A_279, %get3A_314 : vector<16xi32>
      %get3A_316 = arith.constant 0 : i32
      %get3A_317 = arith.constant 0 : i32
      %get3A_318 = tpu.memref_slice %arg4[%scan3A_182, %get3A_316, %get3A_317] : memref<4x8x512xi32, #tpu.memory_space<vmem>> -> memref<1x8x512xi32, #tpu.memory_space<vmem>>
      %get3A_319 = tpu.memref_squeeze %get3A_318 : memref<1x8x512xi32, #tpu.memory_space<vmem>> -> memref<8x512xi32, #tpu.memory_space<vmem>>
      %get3A_320 = arith.index_cast %scan3A_195 : i32 to index
      %get3A_321 = arith.constant 208 : index
      %get3A_322 = tpu.vector_load %get3A_319[%get3A_320, %get3A_321] {strides = array<i32>} : memref<8x512xi32, #tpu.memory_space<vmem>>, vector<1x16xi32>,
      %get3A_323 = vector.shape_cast %get3A_322 : vector<1x16xi32> to vector<16xi32>
      %add3A_324 = arith.addi %add3A_288, %get3A_323 : vector<16xi32>
      %get3A_325 = arith.constant 0 : i32
      %get3A_326 = arith.constant 0 : i32
      %get3A_327 = tpu.memref_slice %arg4[%scan3A_182, %get3A_325, %get3A_326] : memref<4x8x512xi32, #tpu.memory_space<vmem>> -> memref<1x8x512xi32, #tpu.memory_space<vmem>>
      %get3A_328 = tpu.memref_squeeze %get3A_327 : memref<1x8x512xi32, #tpu.memory_space<vmem>> -> memref<8x512xi32, #tpu.memory_space<vmem>>
      %get3A_329 = arith.index_cast %scan3A_195 : i32 to index
      %get3A_330 = arith.constant 224 : index
      %get3A_331 = tpu.vector_load %get3A_328[%get3A_329, %get3A_330] {strides = array<i32>} : memref<8x512xi32, #tpu.memory_space<vmem>>, vector<1x16xi32>,
      %get3A_332 = vector.shape_cast %get3A_331 : vector<1x16xi32> to vector<16xi32>
      %add3A_333 = arith.addi %add3A_297, %get3A_332 : vector<16xi32>
      %get3A_334 = arith.constant 0 : i32
      %get3A_335 = arith.constant 0 : i32
      %get3A_336 = tpu.memref_slice %arg4[%scan3A_182, %get3A_334, %get3A_335] : memref<4x8x512xi32, #tpu.memory_space<vmem>> -> memref<1x8x512xi32, #tpu.memory_space<vmem>>
      %get3A_337 = tpu.memref_squeeze %get3A_336 : memref<1x8x512xi32, #tpu.memory_space<vmem>> -> memref<8x512xi32, #tpu.memory_space<vmem>>
      %get3A_338 = arith.index_cast %scan3A_195 : i32 to index
      %get3A_339 = arith.constant 240 : index
      %get3A_340 = tpu.vector_load %get3A_337[%get3A_338, %get3A_339] {strides = array<i32>} : memref<8x512xi32, #tpu.memory_space<vmem>>, vector<1x16xi32>,
      %get3A_341 = vector.shape_cast %get3A_340 : vector<1x16xi32> to vector<16xi32>
      %add3A_342 = arith.addi %add3A_306, %get3A_341 : vector<16xi32>
      %get3A_343 = arith.constant 0 : i32
      %get3A_344 = arith.constant 0 : i32
      %get3A_345 = tpu.memref_slice %arg4[%scan3A_182, %get3A_343, %get3A_344] : memref<4x8x512xi32, #tpu.memory_space<vmem>> -> memref<1x8x512xi32, #tpu.memory_space<vmem>>
      %get3A_346 = tpu.memref_squeeze %get3A_345 : memref<1x8x512xi32, #tpu.memory_space<vmem>> -> memref<8x512xi32, #tpu.memory_space<vmem>>
      %get3A_347 = arith.index_cast %scan3A_195 : i32 to index
      %get3A_348 = arith.constant 256 : index
      %get3A_349 = tpu.vector_load %get3A_346[%get3A_347, %get3A_348] {strides = array<i32>} : memref<8x512xi32, #tpu.memory_space<vmem>>, vector<1x16xi32>,
      %get3A_350 = vector.shape_cast %get3A_349 : vector<1x16xi32> to vector<16xi32>
      %add3A_351 = arith.addi %add3A_315, %get3A_350 : vector<16xi32>
      %get3A_352 = arith.constant 0 : i32
      %get3A_353 = arith.constant 0 : i32
      %get3A_354 = tpu.memref_slice %arg4[%scan3A_182, %get3A_352, %get3A_353] : memref<4x8x512xi32, #tpu.memory_space<vmem>> -> memref<1x8x512xi32, #tpu.memory_space<vmem>>
      %get3A_355 = tpu.memref_squeeze %get3A_354 : memref<1x8x512xi32, #tpu.memory_space<vmem>> -> memref<8x512xi32, #tpu.memory_space<vmem>>
      %get3A_356 = arith.index_cast %scan3A_195 : i32 to index
      %get3A_357 = arith.constant 272 : index
      %get3A_358 = tpu.vector_load %get3A_355[%get3A_356, %get3A_357] {strides = array<i32>} : memref<8x512xi32, #tpu.memory_space<vmem>>, vector<1x16xi32>,
      %get3A_359 = vector.shape_cast %get3A_358 : vector<1x16xi32> to vector<16xi32>
      %add3A_360 = arith.addi %add3A_324, %get3A_359 : vector<16xi32>
      %get3A_361 = arith.constant 0 : i32
      %get3A_362 = arith.constant 0 : i32
      %get3A_363 = tpu.memref_slice %arg4[%scan3A_182, %get3A_361, %get3A_362] : memref<4x8x512xi32, #tpu.memory_space<vmem>> -> memref<1x8x512xi32, #tpu.memory_space<vmem>>
      %get3A_364 = tpu.memref_squeeze %get3A_363 : memref<1x8x512xi32, #tpu.memory_space<vmem>> -> memref<8x512xi32, #tpu.memory_space<vmem>>
      %get3A_365 = arith.index_cast %scan3A_195 : i32 to index
      %get3A_366 = arith.constant 288 : index
      %get3A_367 = tpu.vector_load %get3A_364[%get3A_365, %get3A_366] {strides = array<i32>} : memref<8x512xi32, #tpu.memory_space<vmem>>, vector<1x16xi32>,
      %get3A_368 = vector.shape_cast %get3A_367 : vector<1x16xi32> to vector<16xi32>
      %add3A_369 = arith.addi %add3A_333, %get3A_368 : vector<16xi32>
      %get3A_370 = arith.constant 0 : i32
      %get3A_371 = arith.constant 0 : i32
      %get3A_372 = tpu.memref_slice %arg4[%scan3A_182, %get3A_370, %get3A_371] : memref<4x8x512xi32, #tpu.memory_space<vmem>> -> memref<1x8x512xi32, #tpu.memory_space<vmem>>
      %get3A_373 = tpu.memref_squeeze %get3A_372 : memref<1x8x512xi32, #tpu.memory_space<vmem>> -> memref<8x512xi32, #tpu.memory_space<vmem>>
      %get3A_374 = arith.index_cast %scan3A_195 : i32 to index
      %get3A_375 = arith.constant 304 : index
      %get3A_376 = tpu.vector_load %get3A_373[%get3A_374, %get3A_375] {strides = array<i32>} : memref<8x512xi32, #tpu.memory_space<vmem>>, vector<1x16xi32>,
      %get3A_377 = vector.shape_cast %get3A_376 : vector<1x16xi32> to vector<16xi32>
      %add3A_378 = arith.addi %add3A_342, %get3A_377 : vector<16xi32>
      %get3A_379 = arith.constant 0 : i32
      %get3A_380 = arith.constant 0 : i32
      %get3A_381 = tpu.memref_slice %arg4[%scan3A_182, %get3A_379, %get3A_380] : memref<4x8x512xi32, #tpu.memory_space<vmem>> -> memref<1x8x512xi32, #tpu.memory_space<vmem>>
      %get3A_382 = tpu.memref_squeeze %get3A_381 : memref<1x8x512xi32, #tpu.memory_space<vmem>> -> memref<8x512xi32, #tpu.memory_space<vmem>>
      %get3A_383 = arith.index_cast %scan3A_195 : i32 to index
      %get3A_384 = arith.constant 320 : index
      %get3A_385 = tpu.vector_load %get3A_382[%get3A_383, %get3A_384] {strides = array<i32>} : memref<8x512xi32, #tpu.memory_space<vmem>>, vector<1x16xi32>,
      %get3A_386 = vector.shape_cast %get3A_385 : vector<1x16xi32> to vector<16xi32>
      %add3A_387 = arith.addi %add3A_351, %get3A_386 : vector<16xi32>
      %get3A_388 = arith.constant 0 : i32
      %get3A_389 = arith.constant 0 : i32
      %get3A_390 = tpu.memref_slice %arg4[%scan3A_182, %get3A_388, %get3A_389] : memref<4x8x512xi32, #tpu.memory_space<vmem>> -> memref<1x8x512xi32, #tpu.memory_space<vmem>>
      %get3A_391 = tpu.memref_squeeze %get3A_390 : memref<1x8x512xi32, #tpu.memory_space<vmem>> -> memref<8x512xi32, #tpu.memory_space<vmem>>
      %get3A_392 = arith.index_cast %scan3A_195 : i32 to index
      %get3A_393 = arith.constant 336 : index
      %get3A_394 = tpu.vector_load %get3A_391[%get3A_392, %get3A_393] {strides = array<i32>} : memref<8x512xi32, #tpu.memory_space<vmem>>, vector<1x16xi32>,
      %get3A_395 = vector.shape_cast %get3A_394 : vector<1x16xi32> to vector<16xi32>
      %add3A_396 = arith.addi %add3A_360, %get3A_395 : vector<16xi32>
      %get3A_397 = arith.constant 0 : i32
      %get3A_398 = arith.constant 0 : i32
      %get3A_399 = tpu.memref_slice %arg4[%scan3A_182, %get3A_397, %get3A_398] : memref<4x8x512xi32, #tpu.memory_space<vmem>> -> memref<1x8x512xi32, #tpu.memory_space<vmem>>
      %get3A_400 = tpu.memref_squeeze %get3A_399 : memref<1x8x512xi32, #tpu.memory_space<vmem>> -> memref<8x512xi32, #tpu.memory_space<vmem>>
      %get3A_401 = arith.index_cast %scan3A_195 : i32 to index
      %get3A_402 = arith.constant 352 : index
      %get3A_403 = tpu.vector_load %get3A_400[%get3A_401, %get3A_402] {strides = array<i32>} : memref<8x512xi32, #tpu.memory_space<vmem>>, vector<1x16xi32>,
      %get3A_404 = vector.shape_cast %get3A_403 : vector<1x16xi32> to vector<16xi32>
      %add3A_405 = arith.addi %add3A_369, %get3A_404 : vector<16xi32>
      %get3A_406 = arith.constant 0 : i32
      %get3A_407 = arith.constant 0 : i32
      %get3A_408 = tpu.memref_slice %arg4[%scan3A_182, %get3A_406, %get3A_407] : memref<4x8x512xi32, #tpu.memory_space<vmem>> -> memref<1x8x512xi32, #tpu.memory_space<vmem>>
      %get3A_409 = tpu.memref_squeeze %get3A_408 : memref<1x8x512xi32, #tpu.memory_space<vmem>> -> memref<8x512xi32, #tpu.memory_space<vmem>>
      %get3A_410 = arith.index_cast %scan3A_195 : i32 to index
      %get3A_411 = arith.constant 368 : index
      %get3A_412 = tpu.vector_load %get3A_409[%get3A_410, %get3A_411] {strides = array<i32>} : memref<8x512xi32, #tpu.memory_space<vmem>>, vector<1x16xi32>,
      %get3A_413 = vector.shape_cast %get3A_412 : vector<1x16xi32> to vector<16xi32>
      %add3A_414 = arith.addi %add3A_378, %get3A_413 : vector<16xi32>
      %get3A_415 = arith.constant 0 : i32
      %get3A_416 = arith.constant 0 : i32
      %get3A_417 = tpu.memref_slice %arg4[%scan3A_182, %get3A_415, %get3A_416] : memref<4x8x512xi32, #tpu.memory_space<vmem>> -> memref<1x8x512xi32, #tpu.memory_space<vmem>>
      %get3A_418 = tpu.memref_squeeze %get3A_417 : memref<1x8x512xi32, #tpu.memory_space<vmem>> -> memref<8x512xi32, #tpu.memory_space<vmem>>
      %get3A_419 = arith.index_cast %scan3A_195 : i32 to index
      %get3A_420 = arith.constant 384 : index
      %get3A_421 = tpu.vector_load %get3A_418[%get3A_419, %get3A_420] {strides = array<i32>} : memref<8x512xi32, #tpu.memory_space<vmem>>, vector<1x16xi32>,
      %get3A_422 = vector.shape_cast %get3A_421 : vector<1x16xi32> to vector<16xi32>
      %add3A_423 = arith.addi %add3A_387, %get3A_422 : vector<16xi32>
      %get3A_424 = arith.constant 0 : i32
      %get3A_425 = arith.constant 0 : i32
      %get3A_426 = tpu.memref_slice %arg4[%scan3A_182, %get3A_424, %get3A_425] : memref<4x8x512xi32, #tpu.memory_space<vmem>> -> memref<1x8x512xi32, #tpu.memory_space<vmem>>
      %get3A_427 = tpu.memref_squeeze %get3A_426 : memref<1x8x512xi32, #tpu.memory_space<vmem>> -> memref<8x512xi32, #tpu.memory_space<vmem>>
      %get3A_428 = arith.index_cast %scan3A_195 : i32 to index
      %get3A_429 = arith.constant 400 : index
      %get3A_430 = tpu.vector_load %get3A_427[%get3A_428, %get3A_429] {strides = array<i32>} : memref<8x512xi32, #tpu.memory_space<vmem>>, vector<1x16xi32>,
      %get3A_431 = vector.shape_cast %get3A_430 : vector<1x16xi32> to vector<16xi32>
      %add3A_432 = arith.addi %add3A_396, %get3A_431 : vector<16xi32>
      %get3A_433 = arith.constant 0 : i32
      %get3A_434 = arith.constant 0 : i32
      %get3A_435 = tpu.memref_slice %arg4[%scan3A_182, %get3A_433, %get3A_434] : memref<4x8x512xi32, #tpu.memory_space<vmem>> -> memref<1x8x512xi32, #tpu.memory_space<vmem>>
      %get3A_436 = tpu.memref_squeeze %get3A_435 : memref<1x8x512xi32, #tpu.memory_space<vmem>> -> memref<8x512xi32, #tpu.memory_space<vmem>>
      %get3A_437 = arith.index_cast %scan3A_195 : i32 to index
      %get3A_438 = arith.constant 416 : index
      %get3A_439 = tpu.vector_load %get3A_436[%get3A_437, %get3A_438] {strides = array<i32>} : memref<8x512xi32, #tpu.memory_space<vmem>>, vector<1x16xi32>,
      %get3A_440 = vector.shape_cast %get3A_439 : vector<1x16xi32> to vector<16xi32>
      %add3A_441 = arith.addi %add3A_405, %get3A_440 : vector<16xi32>
      %get3A_442 = arith.constant 0 : i32
      %get3A_443 = arith.constant 0 : i32
      %get3A_444 = tpu.memref_slice %arg4[%scan3A_182, %get3A_442, %get3A_443] : memref<4x8x512xi32, #tpu.memory_space<vmem>> -> memref<1x8x512xi32, #tpu.memory_space<vmem>>
      %get3A_445 = tpu.memref_squeeze %get3A_444 : memref<1x8x512xi32, #tpu.memory_space<vmem>> -> memref<8x512xi32, #tpu.memory_space<vmem>>
      %get3A_446 = arith.index_cast %scan3A_195 : i32 to index
      %get3A_447 = arith.constant 432 : index
      %get3A_448 = tpu.vector_load %get3A_445[%get3A_446, %get3A_447] {strides = array<i32>} : memref<8x512xi32, #tpu.memory_space<vmem>>, vector<1x16xi32>,
      %get3A_449 = vector.shape_cast %get3A_448 : vector<1x16xi32> to vector<16xi32>
      %add3A_450 = arith.addi %add3A_414, %get3A_449 : vector<16xi32>
      %get3A_451 = arith.constant 0 : i32
      %get3A_452 = arith.constant 0 : i32
      %get3A_453 = tpu.memref_slice %arg4[%scan3A_182, %get3A_451, %get3A_452] : memref<4x8x512xi32, #tpu.memory_space<vmem>> -> memref<1x8x512xi32, #tpu.memory_space<vmem>>
      %get3A_454 = tpu.memref_squeeze %get3A_453 : memref<1x8x512xi32, #tpu.memory_space<vmem>> -> memref<8x512xi32, #tpu.memory_space<vmem>>
      %get3A_455 = arith.index_cast %scan3A_195 : i32 to index
      %get3A_456 = arith.constant 448 : index
      %get3A_457 = tpu.vector_load %get3A_454[%get3A_455, %get3A_456] {strides = array<i32>} : memref<8x512xi32, #tpu.memory_space<vmem>>, vector<1x16xi32>,
      %get3A_458 = vector.shape_cast %get3A_457 : vector<1x16xi32> to vector<16xi32>
      %add3A_459 = arith.addi %add3A_423, %get3A_458 : vector<16xi32>
      %get3A_460 = arith.constant 0 : i32
      %get3A_461 = arith.constant 0 : i32
      %get3A_462 = tpu.memref_slice %arg4[%scan3A_182, %get3A_460, %get3A_461] : memref<4x8x512xi32, #tpu.memory_space<vmem>> -> memref<1x8x512xi32, #tpu.memory_space<vmem>>
      %get3A_463 = tpu.memref_squeeze %get3A_462 : memref<1x8x512xi32, #tpu.memory_space<vmem>> -> memref<8x512xi32, #tpu.memory_space<vmem>>
      %get3A_464 = arith.index_cast %scan3A_195 : i32 to index
      %get3A_465 = arith.constant 464 : index
      %get3A_466 = tpu.vector_load %get3A_463[%get3A_464, %get3A_465] {strides = array<i32>} : memref<8x512xi32, #tpu.memory_space<vmem>>, vector<1x16xi32>,
      %get3A_467 = vector.shape_cast %get3A_466 : vector<1x16xi32> to vector<16xi32>
      %add3A_468 = arith.addi %add3A_432, %get3A_467 : vector<16xi32>
      %get3A_469 = arith.constant 0 : i32
      %get3A_470 = arith.constant 0 : i32
      %get3A_471 = tpu.memref_slice %arg4[%scan3A_182, %get3A_469, %get3A_470] : memref<4x8x512xi32, #tpu.memory_space<vmem>> -> memref<1x8x512xi32, #tpu.memory_space<vmem>>
      %get3A_472 = tpu.memref_squeeze %get3A_471 : memref<1x8x512xi32, #tpu.memory_space<vmem>> -> memref<8x512xi32, #tpu.memory_space<vmem>>
      %get3A_473 = arith.index_cast %scan3A_195 : i32 to index
      %get3A_474 = arith.constant 480 : index
      %get3A_475 = tpu.vector_load %get3A_472[%get3A_473, %get3A_474] {strides = array<i32>} : memref<8x512xi32, #tpu.memory_space<vmem>>, vector<1x16xi32>,
      %get3A_476 = vector.shape_cast %get3A_475 : vector<1x16xi32> to vector<16xi32>
      %add3A_477 = arith.addi %add3A_441, %get3A_476 : vector<16xi32>
      %get3A_478 = arith.constant 0 : i32
      %get3A_479 = arith.constant 0 : i32
      %get3A_480 = tpu.memref_slice %arg4[%scan3A_182, %get3A_478, %get3A_479] : memref<4x8x512xi32, #tpu.memory_space<vmem>> -> memref<1x8x512xi32, #tpu.memory_space<vmem>>
      %get3A_481 = tpu.memref_squeeze %get3A_480 : memref<1x8x512xi32, #tpu.memory_space<vmem>> -> memref<8x512xi32, #tpu.memory_space<vmem>>
      %get3A_482 = arith.index_cast %scan3A_195 : i32 to index
      %get3A_483 = arith.constant 496 : index
      %get3A_484 = tpu.vector_load %get3A_481[%get3A_482, %get3A_483] {strides = array<i32>} : memref<8x512xi32, #tpu.memory_space<vmem>>, vector<1x16xi32>,
      %get3A_485 = vector.shape_cast %get3A_484 : vector<1x16xi32> to vector<16xi32>
      %add3A_486 = arith.addi %add3A_450, %get3A_485 : vector<16xi32>
      scf.yield %add3A_459, %add3A_468, %add3A_477, %add3A_486 : vector<16xi32>, vector<16xi32>, vector<16xi32>, vector<16xi32>
    }
    %scan3A_188 = arith.constant 8 : i32
    %add3A_189 = arith.addi %scan3A_187#0, %scan3A_187#1 : vector<16xi32>
    %add3A_190 = arith.addi %scan3A_187#2, %scan3A_187#3 : vector<16xi32>
    %add3A_191 = arith.addi %add3A_189, %add3A_190 : vector<16xi32>
    %swap3A = arith.constant 0 : index
    %swap3A_192 = tpu.vector_load %arg5[%swap3A] {strides = array<i32>} : memref<16xi32, #tpu.memory_space<vmem>>, vector<16xi32>,
    %swap3A_193 = vector.shape_cast %swap3A_192 : vector<16xi32> to vector<16xi32>
    %swap3A_194 = vector.shape_cast %add3A_191 : vector<16xi32> to vector<16xi32>
    tpu.vector_store %arg5[%swap3A], %swap3A_194 {strides = array<i32>} : memref<16xi32, #tpu.memory_space<vmem>>, vector<16xi32>,
    "tpu.region"() ({
      %run_scoped3A = tpu.sem_alloc : memref<!tpu.dma_semaphore, #tpu.memory_space<semaphore_mem>>
      %dma_start3A_195 = arith.constant 0 : i32
      %dma_start3A_196 = tpu.memref_slice %arg3[%add3A, %dma_start3A_195] : memref<32x16xi32, #tpu.memory_space<hbm>> -> memref<1x16xi32, #tpu.memory_space<hbm>>
      %dma_start3A_197 = tpu.memref_squeeze %dma_start3A_196 : memref<1x16xi32, #tpu.memory_space<hbm>> -> memref<16xi32, #tpu.memory_space<hbm>>
      %dma_start3A_198 = arith.constant 0 : i32
      %dma_start3A_199 = tpu.memref_slice %arg3[%add3A, %dma_start3A_198] : memref<32x16xi32, #tpu.memory_space<hbm>> -> memref<1x16xi32, #tpu.memory_space<hbm>>
      %dma_start3A_200 = tpu.memref_squeeze %dma_start3A_199 : memref<1x16xi32, #tpu.memory_space<hbm>> -> memref<16xi32, #tpu.memory_space<hbm>>
      tpu.enqueue_dma source(%arg5 : memref<16xi32, #tpu.memory_space<vmem>>) target(%dma_start3A_200 : memref<16xi32, #tpu.memory_space<hbm>>) target_semaphore(%run_scoped3A : memref<!tpu.dma_semaphore, #tpu.memory_space<semaphore_mem>>)
      %dma_wait3A_201 = arith.constant 0 : i32
      %dma_wait3A_202 = tpu.memref_slice %arg3[%add3A, %dma_wait3A_201] : memref<32x16xi32, #tpu.memory_space<hbm>> -> memref<1x16xi32, #tpu.memory_space<hbm>>
      %dma_wait3A_203 = tpu.memref_squeeze %dma_wait3A_202 : memref<1x16xi32, #tpu.memory_space<hbm>> -> memref<16xi32, #tpu.memory_space<hbm>>
      %dma_wait3A_204 = arith.constant 0 : i32
      %dma_wait3A_205 = tpu.memref_slice %arg3[%add3A, %dma_wait3A_204] : memref<32x16xi32, #tpu.memory_space<hbm>> -> memref<1x16xi32, #tpu.memory_space<hbm>>
      %dma_wait3A_206 = tpu.memref_squeeze %dma_wait3A_205 : memref<1x16xi32, #tpu.memory_space<hbm>> -> memref<16xi32, #tpu.memory_space<hbm>>
      tpu.wait_dma2 semaphore(%run_scoped3A : memref<!tpu.dma_semaphore, #tpu.memory_space<semaphore_mem>>) src(%arg5 : memref<16xi32, #tpu.memory_space<vmem>>) dst(%dma_wait3A_206 : memref<16xi32, #tpu.memory_space<hbm>>)
      tpu.yield
    }) : () -> ()
    return
  }
}

module attributes {stable_mosaic.version = 14 : i64} {
  func.func @_tc_sum_kernel(%arg0: i32, %arg1: memref<1x512x512xi32, #tpu.memory_space<vmem>>, %arg2: memref<1x1xi32, #tpu.memory_space<vmem>>, %arg3: memref<1x512xi32, #tpu.memory_space<vmem>>) attributes {dimension_semantics = [#tpu.dimension_semantics<arbitrary>], iteration_bounds = array<i64: 6>, scalar_prefetch = 0 : i64, scratch_operands = 1 : i64, tpu.core_type = #tpu.core_type<tc>, window_params = [{transform_indices = @transform_0, window_bounds = array<i64: 1, 512, 512>}, {pipeline_mode = #tpu.pipeline_mode<synchronous>, transform_indices = @transform_1, window_bounds = array<i64: 1, 1>}]} {
    %eq3A = arith.constant 0 : i32
    %eq3A_0 = arith.cmpi eq, %arg0, %eq3A : i32
    %convert_element_type3A = arith.extui %eq3A_0 : i1 to i32
    %cond3A = arith.constant 0 : i32
    %cond3A_1 = arith.cmpi ne, %convert_element_type3A, %cond3A : i32
    scf.if %cond3A_1 {
      %broadcast_in_dim3A = arith.constant 0 : i32
      %broadcast_in_dim3A_16 = vector.broadcast %broadcast_in_dim3A : i32 to vector<1x512xi32>
      %swap3A_17 = arith.constant 0 : index
      %swap3A_18 = arith.constant 0 : index
      %swap3A_19 = vector.load %arg3[%swap3A_17, %swap3A_18] : memref<1x512xi32, #tpu.memory_space<vmem>>, vector<1x512xi32>
      tpu.vector_store %arg3[%swap3A_17, %swap3A_18], %broadcast_in_dim3A_16 {strides = array<i32>} : memref<1x512xi32, #tpu.memory_space<vmem>>, vector<1x512xi32>,
    } else {
    }
    %get3A = arith.constant 0 : index
    %get3A_2 = arith.constant 0 : index
    %get3A_3 = vector.load %arg3[%get3A, %get3A_2] : memref<1x512xi32, #tpu.memory_space<vmem>>, vector<1x512xi32>
    %get3A_4 = arith.constant 0 : index
    %get3A_5 = arith.constant 0 : index
    %get3A_6 = arith.constant 0 : index
    %get3A_7 = vector.load %arg1[%get3A_4, %get3A_5, %get3A_6] : memref<1x512x512xi32, #tpu.memory_space<vmem>>, vector<1x512x512xi32>
    %reduce_sum3A = arith.constant dense<0> : vector<512xi32>
    %reduce_sum3A_8 = vector.multi_reduction <add>, %get3A_7, %reduce_sum3A [0, 1] : vector<1x512x512xi32> to vector<512xi32>
    %reshape3A = vector.shape_cast %reduce_sum3A_8 : vector<512xi32> to vector<1x512xi32>
    %add3A = arith.addi %get3A_3, %reshape3A : vector<1x512xi32>
    %swap3A = arith.constant 0 : index
    %swap3A_9 = arith.constant 0 : index
    %swap3A_10 = vector.load %arg3[%swap3A, %swap3A_9] : memref<1x512xi32, #tpu.memory_space<vmem>>, vector<1x512xi32>
    tpu.vector_store %arg3[%swap3A, %swap3A_9], %add3A {strides = array<i32>} : memref<1x512xi32, #tpu.memory_space<vmem>>, vector<1x512xi32>,
    %eq3A_11 = arith.constant 5 : i32
    %eq3A_12 = arith.cmpi eq, %arg0, %eq3A_11 : i32
    %convert_element_type3A_13 = arith.extui %eq3A_12 : i1 to i32
    %cond3A_14 = arith.constant 0 : i32
    %cond3A_15 = arith.cmpi ne, %convert_element_type3A_13, %cond3A_14 : i32
    scf.if %cond3A_15 {
      %get3A_16 = arith.constant 0 : index
      %get3A_17 = arith.constant 0 : index
      %get3A_18 = vector.load %arg3[%get3A_16, %get3A_17] : memref<1x512xi32, #tpu.memory_space<vmem>>, vector<1x512xi32>
      %reduce_sum3A_19 = vector.shape_cast %get3A_18 : vector<1x512xi32> to vector<1x1x512xi32>
      %reduce_sum3A_20 = arith.constant dense<0> : vector<1xi32>
      %reduce_sum3A_21 = vector.multi_reduction <add>, %reduce_sum3A_19, %reduce_sum3A_20 [1, 2] : vector<1x1x512xi32> to vector<1xi32>
      %reduce_sum3A_22 = vector.shape_cast %reduce_sum3A_21 : vector<1xi32> to vector<1x1x1xi32>
      %reduce_sum3A_23 = vector.extract %reduce_sum3A_22[0, 0, 0] : i32 from vector<1x1x1xi32>
      %reshape3A_24 = vector.broadcast %reduce_sum3A_23 : i32 to vector<1x1xi32>
      %swap3A_25 = arith.constant 0 : index
      %swap3A_26 = arith.constant 0 : index
      %swap3A_27 = vector.load %arg2[%swap3A_25, %swap3A_26] : memref<1x1xi32, #tpu.memory_space<vmem>>, vector<1x1xi32>
      tpu.vector_store %arg2[%swap3A_25, %swap3A_26], %reshape3A_24 {strides = array<i32>} : memref<1x1xi32, #tpu.memory_space<vmem>>, vector<1x1xi32>,
    } else {
    }
    return
  }
  func.func @transform_0(%arg0: i32) -> (i32, i32, i32) {
    %c0_i32 = arith.constant 0 : i32
    %c0_i32_0 = arith.constant 0 : i32
    %c0_i32_1 = arith.constant 0 : i32
    return %arg0, %c0_i32, %c0_i32_0 : i32, i32, i32
  }
  func.func @transform_1(%arg0: i32) -> (i32, i32) {
    %c0_i32 = arith.constant 0 : i32
    %c0_i32_0 = arith.constant 0 : i32
    %c0_i32_1 = arith.constant 0 : i32
    return %c0_i32, %c0_i32_0 : i32, i32
  }
}

module attributes {stable_mosaic.version = 14 : i64} {
  func.func @_combine_kernel(%arg0: memref<32x16xi32, #tpu.memory_space<vmem>>, %arg1: memref<1x1xi32, #tpu.memory_space<vmem>>, %arg2: memref<2x2xi32, #tpu.memory_space<vmem>>) attributes {dimension_semantics = [], scalar_prefetch = 0 : i64, scratch_operands = 0 : i64, tpu.core_type = #tpu.core_type<tc>} {
    %get3A = arith.constant 0 : index
    %get3A_0 = arith.constant 0 : index
    %get3A_1 = vector.load %arg0[%get3A, %get3A_0] : memref<32x16xi32, #tpu.memory_space<vmem>>, vector<32x16xi32>
    %reduce_sum3A = vector.shape_cast %get3A_1 : vector<32x16xi32> to vector<1x32x16xi32>
    %reduce_sum3A_2 = arith.constant dense<0> : vector<1xi32>
    %reduce_sum3A_3 = vector.multi_reduction <add>, %reduce_sum3A, %reduce_sum3A_2 [1, 2] : vector<1x32x16xi32> to vector<1xi32>
    %reduce_sum3A_4 = vector.shape_cast %reduce_sum3A_3 : vector<1xi32> to vector<1x1x1xi32>
    %reduce_sum3A_5 = vector.extract %reduce_sum3A_4[0, 0, 0] : i32 from vector<1x1x1xi32>
    %get3A_6 = arith.constant 0 : index
    %get3A_7 = arith.constant 0 : index
    %get3A_8 = vector.load %arg1[%get3A_6, %get3A_7] : memref<1x1xi32, #tpu.memory_space<vmem>>, vector<1x1xi32>
    %get3A_9 = vector.extract %get3A_8[0, 0] : i32 from vector<1x1xi32>
    %add3A = arith.addi %reduce_sum3A_5, %get3A_9 : i32
    %convert_element_type3A = arith.sitofp %add3A : i32 to f32
    %sub3A = arith.constant 2097152 : i32
    %sub3A_10 = arith.subi %sub3A, %add3A : i32
    %convert_element_type3A_11 = arith.sitofp %sub3A_10 : i32 to f32
    %iota3A = tpu.iota {dimensions = array<i32: 1>} : vector<2x2xi32>
    %iota3A_12 = tpu.iota {dimensions = array<i32: 0>} : vector<2x2xi32>
    %eq3A = arith.constant 0 : i32
    %eq3A_13 = vector.broadcast %eq3A : i32 to vector<2x2xi32>
    %eq3A_14 = arith.cmpi eq, %iota3A, %eq3A_13 : vector<2x2xi32>
    %broadcast_in_dim3A = vector.broadcast %convert_element_type3A_11 : f32 to vector<2x2xf32>
    %broadcast_in_dim3A_15 = vector.broadcast %convert_element_type3A : f32 to vector<2x2xf32>
    %select_n3A = arith.select %eq3A_14, %broadcast_in_dim3A, %broadcast_in_dim3A_15 : vector<2x2xi1>, vector<2x2xf32>
    %eq3A_16 = arith.constant 0 : i32
    %eq3A_17 = vector.broadcast %eq3A_16 : i32 to vector<2x2xi32>
    %eq3A_18 = arith.cmpi eq, %iota3A_12, %eq3A_17 : vector<2x2xi32>
    %jit3A = arith.constant 0.899999976 : f32
    %jit3A_19 = arith.constant 1.100000e+00 : f32
    %broadcast_in_dim3A_20 = vector.broadcast %jit3A : f32 to vector<2x2xf32>
    %broadcast_in_dim3A_21 = vector.broadcast %jit3A_19 : f32 to vector<2x2xf32>
    %select_n3A_22 = arith.select %eq3A_18, %broadcast_in_dim3A_20, %broadcast_in_dim3A_21 : vector<2x2xi1>, vector<2x2xf32>
    %mul3A = arith.mulf %select_n3A, %select_n3A_22 : vector<2x2xf32>
    %convert_element_type3A_23 = arith.fptosi %mul3A : vector<2x2xf32> to vector<2x2xi32>
    %swap3A = arith.constant 0 : index
    %swap3A_24 = arith.constant 0 : index
    %swap3A_25 = vector.load %arg2[%swap3A, %swap3A_24] : memref<2x2xi32, #tpu.memory_space<vmem>>, vector<2x2xi32>
    tpu.vector_store %arg2[%swap3A, %swap3A_24], %convert_element_type3A_23 {strides = array<i32>} : memref<2x2xi32, #tpu.memory_space<vmem>>, vector<2x2xi32>,
    return
  }
}

</mosaic_0001>

<sc_bundles>
// kernel: kernel.5.cloned.1.call-start
scs
__scs_entry_jumppad:
0x0: {  	(pc) =	sbr.rel $0x88, $3  }
0x1: {  	(tag) =	ssettag $0x0;
	lr =	simm.s32 $0x1  }
0x2: {  	[smem:$0x3FA0] =	sst lr;
	_ =	strace $0xD0000000  }
0x3: {  	_ = 	snop  }
0x4: {  	_ = 	snop  }
0x5: {  	_ = 	snop  }
0x6: {  	_ = 	snop  }
0x7: {  	_ = 	snop  }
__scs_overlays_trampoline_lowered:
0x8: {  	[smem:$0x3FAF] =	sst s0  }
0x9: {  	[smem:$0x3FB0] =	sst s1  }
0xa: {  	[smem:$0x3FB1] =	sst s2  }
0xb: {  	[smem:$0x3FB2] =	sst s3  }
0xc: {  	[smem:$0x3FB3] =	sst s4  }
0xd: {  	[smem:$0x3FB4] =	sst s5  }
0xe: {  	[smem:$0x3FB5] =	sst s6  }
0xf: {  	[smem:$0x3FB6] =	sst s7  }
0x10: {  	[smem:$0x3FB7] =	sst s8  }
0x11: {  	[smem:$0x3FB8] =	sst s9;
	s0 =	simm.s32 @!p0 $0x0  }
0x12: {  	s1 =	sld [smem:$0x3F9E];
	s0 =	simm.s32 @p0 $0x1  }
0x13: {  	[smem:$0x3FB9] =	sst s0;
	s0 =	simm.s32 @!p1 $0x0  }
0x14: {  	s2 =	sld [smem:$0x3F9D];
	s0 =	simm.s32 @p1 $0x1  }
0x15: {  	[smem:$0x3FBA] =	sst s0;
	s0 =	simm.s32 @!p2 $0x0  }
0x16: {  	s3 =	sld [smem:$0x3FDB];
	s0 =	simm.s32 @p2 $0x1  }
0x17: {  	s4 =	simm.s32 $0x1BF5;
	[smem:$0x3FBC] =	sst s0  }
0x18: {  	s0 =	sld [smem:$0x3F9F];
	_ =	swait.ge [sflag:s4], $0x0  }
0x19: {  	s7 =	sld [smem:$0x3FA0]  }
0x1a: {  	s8 =	sadd.s32 $0xFFFFE003, lr  }
0x1b: {  	s9 =	sadd.s32 $0xFFFFFEF7, lr;
	s5 =	simm.s32 $0xFFFFFFFF;
	p2 =	slt.u32 s8, $0xFFFFF086  }
0x1c: {  	p1 =	slt.u32 s9, $0xF7A;
	s5 =	simm.s32 @!p2 $0x0  }
0x1d: {  	s5 =	simm.s32 @p1 $0x1;
	p0 =	seq.s32 s7, s2  }
0x1e: {  	s7 =	smul.u32 @!p0 $0xF7A, s2;
	p2 =	seq.s32 @!p0 s5, $0x0  }
0x1f: {  	s9 =	smul.u32 $0xF7A, s1;
	s8 =	simm.s32 @!p0 $0x1BF5;
	p2 =	por !p2, p0  }
0x20: {  	[sflag:s8] =	ssyncset.s32 @!p0 $0xFFFFF086;
	s6 =	sadd.s32 @!p0 s3, s7;
	s7 =	simm.s32 @!p0 $0x108  }
0x21: {  	s3 =	sadd.s32 s3, s9;
	s6 =	sadd.s32 @!p0 $0x88, s6;
	s7 =	simm.s32 @p2 $0x1082  }
0x22: {  	[simem:s7], [sflag:s8] =	dma.local @!p0 [hbm:s6], $0xF7A  }
0x23: {  	s9 =	sor.u32 $0xD0000000, s2;
	s6 =	simm.s32 $0x108;
	_ =	swait.ge @!p0 [sflag:s8], $0x0  }
0x24: {  	s3 =	sadd.s32 $0x88, s3;
	s6 =	simm.s32 @!p1 $0x1082;
	[sflag:s4] =	ssyncset.s32 $0xFFFFF086  }
0x25: {  	[simem:s6], [sflag:s4] =	dma.local [hbm:s3], $0xF7A  }
0x26: {  	[smem:$0x3FA0] =	sst s1;
	(tag) =	ssettag s2;
	_ =	strace s9  }
0x27: {  	s1 =	sld [smem:$0x3FB0]  }
0x28: {  	s2 =	sld [smem:$0x3FB1]  }
0x29: {  	s4 =	sld [smem:$0x3FB3]  }
0x2a: {  	p0 =	seq.s32 s5, $0x0;
	s5 =	sld [smem:$0x3FB4]  }
0x2b: {  	s6 =	sld [smem:$0x3FB5]  }
0x2c: {  	s7 =	sld [smem:$0x3FB6]  }
0x2d: {  	s3 =	simm.s32 $0x108;
	s8 =	sld [smem:$0x3FB7]  }
0x2e: {  	s3 =	simm.s32 @!p0 $0x1082;
	s9 =	sld [smem:$0x3FB8]  }
0x2f: {  	lr =	sadd.s32 s0, s3;
	s0 =	sld [smem:$0x3FAF]  }
0x30: {  	s3 =	sld [smem:$0x3FB2]  }
0x31: {  	[smem:$0x3FBB] =	sst s10  }
0x32: {  	s10 =	sld [smem:$0x3FB9];
	_ =	sdelay $0x3  }
0x33: {  	p0 =	seq.s32 s10, $0x1;
	s10 =	sld [smem:$0x3FBB];
	_ =	sdelay $0x3  }
0x34: {  	[smem:$0x3FBB] =	sst s10  }
0x35: {  	s10 =	sld [smem:$0x3FBA];
	_ =	sdelay $0x3  }
0x36: {  	p1 =	seq.s32 s10, $0x1;
	s10 =	sld [smem:$0x3FBB];
	_ =	sdelay $0x3  }
0x37: {  	[smem:$0x3FBB] =	sst s10  }
0x38: {  	s10 =	sld [smem:$0x3FBC]  }
0x39: {  	_ = 	snop;
	(pc) =	sbr.ind lr, $3  }
0x3a: {  	_ = 	snop  }
0x3b: {  	_ = 	snop  }
0x3c: {  	p2 =	seq.s32 s10, $0x1;
	s10 =	sld [smem:$0x3FBB]  }
0x3d: {  	_ =	shalt  }
0x3e: {  	_ =	shalt  }
0x3f: {  	_ =	shalt  }
0x40: {  	_ =	shalt  }
0x41: {  	_ =	shalt  }
0x42: {  	_ =	shalt  }
0x43: {  	_ =	shalt  }
0x44: {  	_ =	shalt  }
0x45: {  	_ =	shalt  }
0x46: {  	_ =	shalt  }
0x47: {  	_ =	shalt  }
0x48: {  	_ =	shalt  }
0x49: {  	_ =	shalt  }
0x4a: {  	_ =	shalt  }
0x4b: {  	_ =	shalt  }
0x4c: {  	_ =	shalt  }
0x4d: {  	_ =	shalt  }
0x4e: {  	_ =	shalt  }
0x4f: {  	_ =	shalt  }
0x50: {  	_ =	shalt  }
0x51: {  	_ =	shalt  }
0x52: {  	_ =	shalt  }
0x53: {  	_ =	shalt  }
0x54: {  	_ =	shalt  }
0x55: {  	_ =	shalt  }
0x56: {  	_ =	shalt  }
0x57: {  	_ =	shalt  }
0x58: {  	_ =	shalt  }
0x59: {  	_ =	shalt  }
0x5a: {  	_ =	shalt  }
0x5b: {  	_ =	shalt  }
0x5c: {  	_ =	shalt  }
0x5d: {  	_ =	shalt  }
0x5e: {  	_ =	shalt  }
0x5f: {  	_ =	shalt  }
0x60: {  	_ =	shalt  }
0x61: {  	_ =	shalt  }
0x62: {  	_ =	shalt  }
0x63: {  	_ =	shalt  }
0x64: {  	_ =	shalt  }
0x65: {  	_ =	shalt  }
0x66: {  	_ =	shalt  }
0x67: {  	_ =	shalt  }
0x68: {  	_ =	shalt  }
0x69: {  	_ =	shalt  }
0x6a: {  	_ =	shalt  }
0x6b: {  	_ =	shalt  }
0x6c: {  	_ =	shalt  }
0x6d: {  	_ =	shalt  }
0x6e: {  	_ =	shalt  }
0x6f: {  	_ =	shalt  }
0x70: {  	_ =	shalt  }
0x71: {  	_ =	shalt  }
0x72: {  	_ =	shalt  }
0x73: {  	_ =	shalt  }
0x74: {  	_ =	shalt  }
0x75: {  	_ =	shalt  }
0x76: {  	_ =	shalt  }
0x77: {  	_ =	shalt  }
0x78: {  	_ =	shalt  }
0x79: {  	_ =	shalt  }
0x7a: {  	_ =	shalt  }
0x7b: {  	_ =	shalt  }
0x7c: {  	_ =	shalt  }
0x7d: {  	_ =	shalt  }
0x7e: {  	_ =	shalt  }
0x7f: {  	_ =	shalt  }
0x80: {  	_ =	shalt  }
0x81: {  	_ =	shalt  }
0x82: {  	_ =	shalt  }
0x83: {  	_ =	shalt  }
0x84: {  	_ =	shalt  }
0x85: {  	_ =	shalt  }
0x86: {  	_ =	shalt  }
0x87: {  	_ =	shalt  }
.Lfunc_end0:
.L_simem_size_0:
called_computation_lowered:
.L_overlay_start_0:
0x88: {  	s2 =	sld [smem:$0x3FD9]  }
0x89: {  	s3 =	sld [smem:$0x3FFE];
	_ =	sdelay $0x1  }
0x8a: {  	s1 =	srdreg.scid  }
0x8b: {  	s0 =	sand.u32 $0x1, s1  }
0x8c: {  	s17 =	sshll.u32 s0, $0xA;
	s2 =	sadd.s32 s3, s2  }
0x8d: {  	s2 =	sadd.s32 s2, s17  }
0x8e: {  	[smem:$0x3FC7] =	sst s2  }
0x8f: {  	_ = 	snop  }
0x90: {  	s2 =	sld [smem:$0x3FC9];
	(tm) =	ssettm $0x1  }
0x91: {  	s18 =	sld [smem:$0x3FFB];
	_ =	sdelay $0x3  }
0x92: {  	_ =	strace s18  }
0x93: {  	s3 =	sld [smem:$0x3FFC];
	_ =	sdelay $0x3  }
0x94: {  	_ =	strace s3  }
0x95: {  	s3 =	sld [smem:$0x3FFD];
	_ =	sdelay $0x3  }
0x96: {  	_ =	strace s3  }
0x97: {  	_ =	strace $0x8FFFFFFF  }
0x98: {  	s19 =	sld [smem:$0x3FDB];
	_ =	sdelay $0x1  }
0x99: {  	s4 =	simm.s32 $_scs_section_size  }
0x9a: {  	s5 =	simm.s32 $_size__tile_overlayer_lowered;
	s6 =	simm.s32 $_tile_overlayer_lowered  }
0x9b: {  	s22 =	simm.s32 $0x1BFF;
	s21 =	sshll.u32 s6, $0x1;
	s3 =	sadd.s32 s4, s19  }
0x9c: {  	s7 =	simm.s32 $0x0;
	s20 =	sshll.u32 s5, $0x1;
	s5 =	sadd.s32 s21, s3  }
0x9d: {  	[timem:s7], [sflag:s22] =	dma.local [hbm:s5], s20  }
0x9e: {  	_ =	swait.ge [sflag:s22], s20  }
0x9f: {  	s4 =	ssub.s32 $0x0, s20;
	[sflag:s22] =	ssyncset.done $0x0  }
0xa0: {  	[sflag:s22] =	ssyncadd.s32 s4;
	_ =	sdelay $0x1  }
0xa1: {  	s23 =	simm.s32 $0x1B8B  }
0xa2: {  	_ =	swait.ge [sflag:s23], $0x1  }
0xa3: {  	[sflag:s23] =	ssyncset.done $0x0  }
0xa4: {  	s25 =	simm.s32 $0x1B8E;
	s24 =	sld [smem:$0x3FFE];
	[sflag:s23] =	ssyncadd.s32 $0xFFFFFFFF  }
0xa5: {  	s26 =	simm.s32 $execute0_lowered;
	[smem:$0x3FD2] =	sst s25  }
0xa6: {  	s5 =	sshll.u32 s26, $0x1;
	_ =	strace $0x80000046;
	[dreg:$0x1] =	wrdreg $0xFFFFFFFF  }
0xa7: {  	s28 =	simm.s32 $_size_execute0_lowered;
	s3 =	sadd.s32 s3, s5;
	[dreg:$0x0] =	wrdreg $0x0  }
0xa8: {  	s5 =	sshll.u32 s28, $0x1;
	[dreg:$0x2] =	wrdreg s3  }
0xa9: {  	[dreg:$0x3] =	wrdreg s5  }
0xaa: {  	[dreg:$0x4] =	wrdreg $0xC0  }
0xab: {  	_ =	task [dreg:s7], $0x5FFFF  }
0xac: {  	[dreg:$0x1] =	wrdreg $0xFFFFFFFF  }
0xad: {  	[dreg:$0x0] =	wrdreg $0x60  }
0xae: {  	[dreg:$0x2] =	wrdreg s2  }
0xaf: {  	[dreg:$0x3] =	wrdreg s24  }
0xb0: {  	[dreg:$0x4] =	wrdreg $0x9  }
0xb1: {  	_ =	task.clear_ibuf [dreg:s7], $0x5FFFF;
	_ =	strace $0x90000046  }
0xb2: {  	s29 =	simm.s32 $0x9;
	_ =	strace $0x80000048  }
0xb3: {  	_ =	swait.ge [sflag:s29], $0x1  }
0xb4: {  	[sflag:s29] =	ssyncadd.s32 $0xFFFFFFFF  }
0xb5: {  	_ =	strace $0x90000048  }
0xb6: {  	_ =	sfence  }
0xb7: {  	s30 =	sld [smem:$0x0];
	_ =	sdelay $0x2  }
0xb8: {  	s31 =	sshll.u32 s1, $0xD;
	s1 =	sshrl.u32 s1, $0x2  }
0xb9: {  	s3 =	sand.u32 $0x4000, s31;
	s1 =	sadd.s32 s1, s30  }
0xba: {  	s0 =	sor.u32 s3, s0;
	s1 =	sshll.u32 s1, $0x11  }
0xbb: {  	s0 =	sor.u32 s1, s0  }
0xbc: {  	s0 =	sadd.s32 $0x8F2B, s0  }
0xbd: {  	[sflag:s0] =	ssyncadd.remote.s32 $0x1  }
0xbe: {  	_ =	sfence.sel $0xFFFF  }
0xbf: {  	[dreg:$0x0] =	wrdreg $0xFFFFFFFF;
	(pc) =	sbr.abs _section_cstart, $3  }
0xc0: {  	[dreg:$0x1] =	wrdreg $0xFFFFFFFF  }
0xc1: {  	_ =	task.clear_ibuf [dreg:s7], $0x2FFFF;
	_ =	strace $0x9FFFFFFF  }
0xc2: {  	(tm) =	ssettm $0x7FFFFFFF  }
0xc3: {  	_ =	shalt  }
tec
execute0_lowered:
.L_overlay_start_1:
0x0: {  	(tag) =	ssettag $0x1  }
0x1: {  	s3 =	rddreg [dreg:$0x0];
	s1 =	srdreg.scid  }
0x2: {  	s0 =	stileid.u32;
	s4 =	rddreg [dreg:$0x1];
	s10 =	simm.s32 $0x2000  }
0x3: {  	s11 =	simm.s32 $0x3000;
	s12 =	simm.s32 $0x1;
	s13 =	simm.s32 $0x2  }
0x4: {  	s14 =	simm.s32 $0x3;
	s15 =	simm.s32 $0x4;
	s16 =	simm.s32 $0x4000  }
0x5: {  	s17 =	simm.s32 $0x5;
	s18 =	simm.s32 $0x0;
	s5 =	sand.u32 $0x1, s1  }
0x6: {  	s2 =	sshll.u32 s0, $0x1;
	s1 =	rddreg [dreg:$0x2];
	s8 =	sshll.u32 s0, $0xC  }
0x7: {  	s6 =	sor.u32 s5, s2;
	s2 =	simm.s32 $0x0;
	s8 =	sand.u32 $0x8000, s8  }
0x8: {  	s5 =	ssub.s32 $0x2, s5;
	s7 =	sshll.u32 s6, $0xB;
	[smem:$0x7FF] =	sst s2  }
0x9: {  	s6 =	sshll.u32 s6, $0x4;
	s31 =	sshrl.u32 s5, $0x1;
	s7 =	sand.u32 $0x7800, s7  }
0xa: {  	_ =	strace $0x80000047;
	s7 =	sor.u32 s7, s8;
	s8 =	ssub.s32 s5, s31  }
0xb: {  	s9 =	sadd.s32 s6, s4;
	s7 =	sadd.s32 s7, s3;
	s8 =	smax.u32 s8, $0x1  }
0xc: {  	s3 =	sadd.s32 $0x30000, s7;
	s4 =	sadd.s32 $0x30200, s7;
	s5 =	sadd.s32 $0x30400, s7  }
0xd: {  	s6 =	sadd.s32 $0x30600, s7;
	s7 =	sadd.s32 $0x800, s9;
	s9 =	simm.s32 $0x1000  }
.LBB2_1:
0xe: {  	[tilespmem:s2], [sflag:$0x1] =	stream.linear.gather [hbm4b:s3+s2], $0x1000, $0x38;
	[tilespmem:$0x4080] =	vst v63  }
0xf: {  	_ = 	snop  }
0x10: {  	[tilespmem:s9], [sflag:$0x2] =	stream.linear.gather [hbm4b:s4+s2], $0x1000, $0x38;
	[tilespmem:$0x4080] =	vst v63  }
0x11: {  	_ = 	snop  }
0x12: {  	[tilespmem:s10], [sflag:$0x3] =	stream.linear.gather [hbm4b:s5+s2], $0x1000, $0x38;
	[tilespmem:$0x4080] =	vst v63  }
0x13: {  	_ = 	snop  }
0x14: {  	[tilespmem:s11], [sflag:$0x4] =	stream.linear.gather [hbm4b:s6+s2], $0x1000, $0x38;
	[tilespmem:$0x4080] =	vst v63  }
0x15: {  	_ =	swait.ge [sflag:s12], $0x1000  }
0x16: {  	[sflag:s12] =	ssyncset.done $0x0  }
0x17: {  	s19 =	simm.s32 $0xFFFFFC00;
	[sflag:s12] =	ssyncadd.s32 $0xFFFFF000  }
0x18: {  	v13 =	vld [tilespmem:s19+$0x1040]  }
0x19: {  	v2 =	vld [tilespmem:s19+$0x1050]  }
0x1a: {  	v3 =	vld [tilespmem:s19+$0x1060]  }
0x1b: {  	v19 =	vld [tilespmem:s19+$0x1000]  }
0x1c: {  	v5 =	vld [tilespmem:s19+$0x1010]  }
0x1d: {  	v7 =	vld [tilespmem:s19+$0x1020]  }
0x1e: {  	v20 =	vld [tilespmem:s19+$0xC40]  }
0x1f: {  	v9 =	vld [tilespmem:s19+$0xC50]  }
0x20: {  	v11 =	vld [tilespmem:s19+$0xC60]  }
0x21: {  	v16 =	vld [tilespmem:s19+$0xC00]  }
0x22: {  	v15 =	vld [tilespmem:s19+$0xC10]  }
0x23: {  	v17 =	vld [tilespmem:s19+$0xC20]  }
0x24: {  	v14 =	vld [tilespmem:s19+$0x840]  }
0x25: {  	v23 =	vld [tilespmem:s19+$0x850]  }
0x26: {  	v24 =	vld [tilespmem:s19+$0x860]  }
0x27: {  	v0 =	vld [tilespmem:s19+$0x800]  }
0x28: {  	v1 =	vld [tilespmem:s19+$0x400]  }
0x29: {  	v4 =	vld [tilespmem:s19+$0x440]  }
0x2a: {  	v29 =	vld [tilespmem:s19+$0x810]  }
0x2b: {  	v30 =	vld [tilespmem:s19+$0x820]  }
0x2c: {  	v26 =	vimm.s32 $0x0;
	v32 =	vld [tilespmem:s19+$0x450]  }
0x2d: {  	v33 =	vld [tilespmem:s19+$0x460];
	v1 =	vadd.s32 v26, v1  }
0x2e: {  	v34 =	vld [tilespmem:s19+$0x410];
	v1 =	vadd.s32 v4, v1  }
0x2f: {  	s20 =	simm.s32 $0xFFFFF200;
	v27 =	vimm.s32 $0x0;
	v28 =	vimm.s32 $0x0;
	v35 =	vld [tilespmem:s19+$0x420];
	v21 =	vadd.s32 v0, v1  }
.LBB2_2:
0x30: {  	p0 =	sne.s32 s20, $0xFFFFFE00;
	v0 =	vld [tilespmem:s19+$0x430];
	v1 =	vadd.s32 v14, v21  }
0x31: {  	v4 =	vld [tilespmem:s19+$0x470];
	v1 =	vadd.s32 v16, v1  }
0x32: {  	v6 =	vld [tilespmem:s19+$0x830];
	v1 =	vadd.s32 v20, v1  }
0x33: {  	v8 =	vld [tilespmem:s19+$0x870];
	v1 =	vadd.s32 v19, v1  }
0x34: {  	v10 =	vld [tilespmem:s19+$0xC30];
	v1 =	vadd.s32 v13, v1  }
0x35: {  	v12 =	vadd.s32 v26, v34;
	v13 =	vadd.s32 v27, v35;
	v0 =	vadd.s32 v28, v0;
	v14 =	vld [tilespmem:s19+$0xC70]  }
0x36: {  	v12 =	vadd.s32 v32, v12;
	v13 =	vadd.s32 v33, v13;
	v0 =	vadd.s32 v4, v0;
	v4 =	vld [tilespmem:s19+$0x1030]  }
0x37: {  	v12 =	vadd.s32 v29, v12;
	v16 =	vadd.s32 v30, v13;
	v0 =	vadd.s32 v6, v0;
	v6 =	vld [tilespmem:s19+$0x1070];
	s19 =	sshra.s32 s20, $0x2  }
0x38: {  	v12 =	vadd.s32 v23, v12;
	v16 =	vadd.s32 v24, v16;
	v13 =	vld [tilespmem:s19+$0x1040];
	v0 =	vadd.s32 v8, v0  }
0x39: {  	v12 =	vadd.s32 v15, v12;
	v15 =	vadd.s32 v17, v16;
	v8 =	vld [tilespmem:s19+$0x1050];
	v0 =	vadd.s32 v10, v0  }
0x3a: {  	v9 =	vadd.s32 v9, v12;
	v11 =	vadd.s32 v11, v15;
	v10 =	vld [tilespmem:s19+$0x1060];
	v0 =	vadd.s32 v14, v0  }
0x3b: {  	v9 =	vadd.s32 v5, v9;
	v7 =	vadd.s32 v7, v11;
	v19 =	vld [tilespmem:s19+$0x1000];
	v0 =	vadd.s32 v4, v0  }
0x3c: {  	v26 =	vadd.s32 v2, v9;
	v27 =	vadd.s32 v3, v7;
	v5 =	vld [tilespmem:s19+$0x1010];
	v28 =	vadd.s32 v6, v0  }
0x3d: {  	v7 =	vld [tilespmem:s19+$0x1020]  }
0x3e: {  	v20 =	vld [tilespmem:s19+$0xC40];
	v2 =	vmov v8  }
0x3f: {  	v9 =	vld [tilespmem:s19+$0xC50];
	v3 =	vmov v10  }
0x40: {  	v11 =	vld [tilespmem:s19+$0xC60]  }
0x41: {  	v16 =	vld [tilespmem:s19+$0xC00]  }
0x42: {  	v15 =	vld [tilespmem:s19+$0xC10]  }
0x43: {  	v17 =	vld [tilespmem:s19+$0xC20]  }
0x44: {  	v14 =	vld [tilespmem:s19+$0x840]  }
0x45: {  	v23 =	vld [tilespmem:s19+$0x850]  }
0x46: {  	v24 =	vld [tilespmem:s19+$0x860]  }
0x47: {  	v0 =	vld [tilespmem:s19+$0x800]  }
0x48: {  	v4 =	vld [tilespmem:s19+$0x400]  }
0x49: {  	v6 =	vld [tilespmem:s19+$0x440]  }
0x4a: {  	v29 =	vld [tilespmem:s19+$0x810]  }
.Ltmp0:
0x4b: {  	v30 =	vld [tilespmem:s19+$0x820];
	(pc) =	sbr.rel @p0 .LBB2_2-.Ltmp0, $4  }
0x4c: {  	v32 =	vld [tilespmem:s19+$0x450]  }
0x4d: {  	v1 =	vadd.s32 v1, v4;
	v33 =	vld [tilespmem:s19+$0x460]  }
0x4e: {  	v34 =	vld [tilespmem:s19+$0x410];
	v1 =	vadd.s32 v6, v1  }
0x4f: {  	s20 =	sadd.s32 $0x200, s20;
	v35 =	vld [tilespmem:s19+$0x420];
	v21 =	vadd.s32 v0, v1  }
0x50: {  	v36 =	vld [tilespmem:s19+$0x430]  }
0x51: {  	v37 =	vld [tilespmem:s19+$0x470]  }
0x52: {  	v38 =	vld [tilespmem:s19+$0x830]  }
0x53: {  	v39 =	vld [tilespmem:s19+$0x870]  }
0x54: {  	v40 =	vld [tilespmem:s19+$0xC30]  }
0x55: {  	v41 =	vld [tilespmem:s19+$0xC70]  }
0x56: {  	v42 =	vld [tilespmem:s19+$0x1030]  }
0x57: {  	v43 =	vld [tilespmem:s19+$0x1070];
	_ =	swait.ge [sflag:s13], $0x1000  }
0x58: {  	[sflag:s13] =	ssyncset.done $0x0  }
0x59: {  	s19 =	simm.s32 $0xFFFFFC00;
	[sflag:s13] =	ssyncadd.s32 $0xFFFFF000  }
0x5a: {  	v12 =	vld [tilespmem:s19+$0x2040]  }
0x5b: {  	v0 =	vld [tilespmem:s19+$0x2050]  }
0x5c: {  	v1 =	vld [tilespmem:s19+$0x2060]  }
0x5d: {  	v18 =	vld [tilespmem:s19+$0x2000]  }
0x5e: {  	v4 =	vld [tilespmem:s19+$0x2010]  }
0x5f: {  	v6 =	vld [tilespmem:s19+$0x2020]  }
0x60: {  	v22 =	vld [tilespmem:s19+$0x1C40]  }
0x61: {  	v8 =	vld [tilespmem:s19+$0x1C50]  }
0x62: {  	v10 =	vld [tilespmem:s19+$0x1C60]  }
0x63: {  	v25 =	vld [tilespmem:s19+$0x1C00]  }
0x64: {  	v21 =	vadd.s32 v14, v21;
	v14 =	vld [tilespmem:s19+$0x1C10]  }
0x65: {  	v21 =	vadd.s32 v16, v21;
	v16 =	vld [tilespmem:s19+$0x1C20]  }
0x66: {  	v20 =	vadd.s32 v20, v21;
	v31 =	vld [tilespmem:s19+$0x1840]  }
0x67: {  	v19 =	vadd.s32 v19, v20;
	v20 =	vld [tilespmem:s19+$0x1850]  }
0x68: {  	v21 =	vld [tilespmem:s19+$0x1860];
	v13 =	vadd.s32 v13, v19  }
0x69: {  	v63 =	vld [tilespmem:s19+$0x1800];
	v19 =	vadd.s32 v26, v34;
	v26 =	vadd.s32 v27, v35;
	v27 =	vadd.s32 v28, v36  }
0x6a: {  	v19 =	vadd.s32 v32, v19;
	v26 =	vadd.s32 v33, v26;
	v28 =	vld [tilespmem:s19+$0x1400];
	v27 =	vadd.s32 v37, v27  }
0x6b: {  	v19 =	vadd.s32 v29, v19;
	v26 =	vadd.s32 v30, v26;
	v29 =	vld [tilespmem:s19+$0x1440];
	v27 =	vadd.s32 v38, v27  }
0x6c: {  	v34 =	vld [tilespmem:s19+$0x1410];
	v19 =	vadd.s32 v23, v19;
	v23 =	vadd.s32 v24, v26;
	v24 =	vadd.s32 v39, v27  }
0x6d: {  	v35 =	vld [tilespmem:s19+$0x1420];
	v15 =	vadd.s32 v15, v19;
	v17 =	vadd.s32 v17, v23;
	v19 =	vadd.s32 v40, v24  }
0x6e: {  	v32 =	vld [tilespmem:s19+$0x1450];
	v9 =	vadd.s32 v9, v15;
	v11 =	vadd.s32 v11, v17;
	v15 =	vadd.s32 v41, v19  }
0x6f: {  	v33 =	vld [tilespmem:s19+$0x1460];
	v5 =	vadd.s32 v5, v9;
	v7 =	vadd.s32 v7, v11;
	v9 =	vadd.s32 v13, v28  }
0x70: {  	v30 =	vld [tilespmem:s19+$0x1820];
	v11 =	vadd.s32 v42, v15;
	v26 =	vadd.s32 v2, v5;
	v2 =	vadd.s32 v29, v9  }
0x71: {  	s20 =	simm.s32 $0xFFFFF200;
	v27 =	vld [tilespmem:s19+$0x1810];
	v28 =	vadd.s32 v3, v7;
	v29 =	vadd.s32 v43, v11;
	v15 =	vadd.s32 v63, v2  }
.LBB2_4:
0x72: {  	p0 =	sne.s32 s20, $0xFFFFFE00;
	v2 =	vld [tilespmem:s19+$0x1430];
	v3 =	vadd.s32 v31, v15  }
0x73: {  	v5 =	vld [tilespmem:s19+$0x1470];
	v3 =	vadd.s32 v25, v3  }
0x74: {  	v7 =	vld [tilespmem:s19+$0x1830];
	v3 =	vadd.s32 v22, v3  }
0x75: {  	v9 =	vld [tilespmem:s19+$0x1870];
	v3 =	vadd.s32 v18, v3  }
0x76: {  	v11 =	vld [tilespmem:s19+$0x1C30];
	v3 =	vadd.s32 v12, v3  }
0x77: {  	v12 =	vadd.s32 v26, v34;
	v13 =	vadd.s32 v28, v35;
	v2 =	vadd.s32 v29, v2;
	v15 =	vld [tilespmem:s19+$0x1C70]  }
0x78: {  	v12 =	vadd.s32 v32, v12;
	v13 =	vadd.s32 v33, v13;
	v2 =	vadd.s32 v5, v2;
	v5 =	vld [tilespmem:s19+$0x2030]  }
0x79: {  	v17 =	vadd.s32 v27, v12;
	v13 =	vadd.s32 v30, v13;
	v2 =	vadd.s32 v7, v2;
	v7 =	vld [tilespmem:s19+$0x2070];
	s19 =	sshra.s32 s20, $0x2  }
0x7a: {  	v17 =	vadd.s32 v20, v17;
	v13 =	vadd.s32 v21, v13;
	v12 =	vld [tilespmem:s19+$0x2040];
	v2 =	vadd.s32 v9, v2  }
0x7b: {  	v14 =	vadd.s32 v14, v17;
	v13 =	vadd.s32 v16, v13;
	v9 =	vld [tilespmem:s19+$0x2050];
	v2 =	vadd.s32 v11, v2  }
0x7c: {  	v8 =	vadd.s32 v8, v14;
	v10 =	vadd.s32 v10, v13;
	v11 =	vld [tilespmem:s19+$0x2060];
	v2 =	vadd.s32 v15, v2  }
0x7d: {  	v8 =	vadd.s32 v4, v8;
	v6 =	vadd.s32 v6, v10;
	v18 =	vld [tilespmem:s19+$0x2000];
	v2 =	vadd.s32 v5, v2  }
0x7e: {  	v26 =	vadd.s32 v0, v8;
	v28 =	vadd.s32 v1, v6;
	v4 =	vld [tilespmem:s19+$0x2010];
	v29 =	vadd.s32 v7, v2  }
0x7f: {  	v6 =	vld [tilespmem:s19+$0x2020]  }
0x80: {  	v22 =	vld [tilespmem:s19+$0x1C40];
	v0 =	vmov v9  }
0x81: {  	v8 =	vld [tilespmem:s19+$0x1C50];
	v1 =	vmov v11  }
0x82: {  	v10 =	vld [tilespmem:s19+$0x1C60]  }
0x83: {  	v25 =	vld [tilespmem:s19+$0x1C00]  }
0x84: {  	v14 =	vld [tilespmem:s19+$0x1C10]  }
0x85: {  	v16 =	vld [tilespmem:s19+$0x1C20]  }
0x86: {  	v31 =	vld [tilespmem:s19+$0x1840]  }
0x87: {  	v20 =	vld [tilespmem:s19+$0x1850]  }
0x88: {  	v21 =	vld [tilespmem:s19+$0x1860]  }
0x89: {  	v2 =	vld [tilespmem:s19+$0x1800]  }
0x8a: {  	v5 =	vld [tilespmem:s19+$0x1400]  }
0x8b: {  	v7 =	vld [tilespmem:s19+$0x1440]  }
0x8c: {  	v27 =	vld [tilespmem:s19+$0x1810]  }
.Ltmp1:
0x8d: {  	v30 =	vld [tilespmem:s19+$0x1820];
	(pc) =	sbr.rel @p0 .LBB2_4-.Ltmp1, $4  }
0x8e: {  	v32 =	vld [tilespmem:s19+$0x1450]  }
0x8f: {  	v3 =	vadd.s32 v3, v5;
	v33 =	vld [tilespmem:s19+$0x1460]  }
0x90: {  	v34 =	vld [tilespmem:s19+$0x1410];
	v3 =	vadd.s32 v7, v3  }
0x91: {  	s20 =	sadd.s32 $0x200, s20;
	v35 =	vld [tilespmem:s19+$0x1420];
	v15 =	vadd.s32 v2, v3  }
0x92: {  	v36 =	vld [tilespmem:s19+$0x1430]  }
0x93: {  	v37 =	vld [tilespmem:s19+$0x1470]  }
0x94: {  	v38 =	vld [tilespmem:s19+$0x1830]  }
0x95: {  	v39 =	vld [tilespmem:s19+$0x1870]  }
0x96: {  	v40 =	vld [tilespmem:s19+$0x1C30]  }
0x97: {  	v41 =	vld [tilespmem:s19+$0x1C70]  }
0x98: {  	v42 =	vld [tilespmem:s19+$0x2030]  }
0x99: {  	v43 =	vld [tilespmem:s19+$0x2070];
	_ =	swait.ge [sflag:s14], $0x1000  }
0x9a: {  	[sflag:s14] =	ssyncset.done $0x0  }
0x9b: {  	s19 =	simm.s32 $0xFFFFFC00;
	[sflag:s14] =	ssyncadd.s32 $0xFFFFF000  }
0x9c: {  	v13 =	vld [tilespmem:s19+$0x3040]  }
0x9d: {  	v2 =	vld [tilespmem:s19+$0x3050]  }
0x9e: {  	v3 =	vld [tilespmem:s19+$0x3060]  }
0x9f: {  	v19 =	vld [tilespmem:s19+$0x3000]  }
0xa0: {  	v5 =	vld [tilespmem:s19+$0x3010]  }
0xa1: {  	v7 =	vld [tilespmem:s19+$0x3020]  }
0xa2: {  	v23 =	vld [tilespmem:s19+$0x2C40]  }
0xa3: {  	v9 =	vld [tilespmem:s19+$0x2C50]  }
0xa4: {  	v11 =	vld [tilespmem:s19+$0x2C60]  }
0xa5: {  	v24 =	vld [tilespmem:s19+$0x2C00]  }
0xa6: {  	v17 =	vadd.s32 v31, v15;
	v15 =	vld [tilespmem:s19+$0x2C10]  }
0xa7: {  	v25 =	vadd.s32 v25, v17;
	v17 =	vld [tilespmem:s19+$0x2C20]  }
0xa8: {  	v22 =	vadd.s32 v22, v25;
	v31 =	vld [tilespmem:s19+$0x2840]  }
0xa9: {  	v22 =	vadd.s32 v18, v22;
	v18 =	vld [tilespmem:s19+$0x2850]  }
0xaa: {  	v25 =	vadd.s32 v26, v34;
	v62 =	vld [tilespmem:s19+$0x2800]  }
0xab: {  	v63 =	vld [tilespmem:s19+$0x2400];
	v26 =	vadd.s32 v28, v35;
	v25 =	vadd.s32 v32, v25;
	v28 =	vadd.s32 v29, v36  }
0xac: {  	v34 =	vld [tilespmem:s19+$0x2410];
	v26 =	vadd.s32 v33, v26;
	v25 =	vadd.s32 v27, v25;
	v28 =	vadd.s32 v37, v28  }
0xad: {  	v26 =	vadd.s32 v30, v26;
	v20 =	vadd.s32 v20, v25;
	v27 =	vadd.s32 v38, v28;
	v28 =	vld [tilespmem:s19+$0x2440]  }
0xae: {  	v12 =	vadd.s32 v12, v22;
	v22 =	vld [tilespmem:s19+$0x2860];
	v21 =	vadd.s32 v21, v26;
	v14 =	vadd.s32 v14, v20  }
0xaf: {  	v32 =	vld [tilespmem:s19+$0x2450];
	v25 =	vadd.s32 v39, v27;
	v16 =	vadd.s32 v16, v21;
	v8 =	vadd.s32 v8, v14  }
0xb0: {  	v35 =	vld [tilespmem:s19+$0x2420];
	v20 =	vadd.s32 v40, v25;
	v10 =	vadd.s32 v10, v16;
	v4 =	vadd.s32 v4, v8  }
0xb1: {  	v29 =	vld [tilespmem:s19+$0x2820];
	v8 =	vadd.s32 v12, v63;
	v14 =	vadd.s32 v41, v20;
	v6 =	vadd.s32 v6, v10  }
0xb2: {  	v33 =	vld [tilespmem:s19+$0x2460];
	v25 =	vadd.s32 v0, v4;
	v10 =	vadd.s32 v42, v14;
	v0 =	vadd.s32 v28, v8  }
0xb3: {  	s20 =	simm.s32 $0xFFFFF200;
	v26 =	vld [tilespmem:s19+$0x2810];
	v27 =	vadd.s32 v1, v6;
	v28 =	vadd.s32 v43, v10;
	v14 =	vadd.s32 v62, v0  }
.LBB2_6:
0xb4: {  	p0 =	sne.s32 s20, $0xFFFFFE00;
	v0 =	vld [tilespmem:s19+$0x2430];
	v1 =	vadd.s32 v31, v14  }
0xb5: {  	v4 =	vld [tilespmem:s19+$0x2470];
	v1 =	vadd.s32 v24, v1  }
0xb6: {  	v6 =	vld [tilespmem:s19+$0x2830];
	v1 =	vadd.s32 v23, v1  }
0xb7: {  	v8 =	vld [tilespmem:s19+$0x2870];
	v1 =	vadd.s32 v19, v1  }
0xb8: {  	v10 =	vld [tilespmem:s19+$0x2C30];
	v1 =	vadd.s32 v13, v1  }
0xb9: {  	v12 =	vadd.s32 v25, v34;
	v13 =	vadd.s32 v27, v35;
	v0 =	vadd.s32 v28, v0;
	v14 =	vld [tilespmem:s19+$0x2C70]  }
0xba: {  	v12 =	vadd.s32 v32, v12;
	v13 =	vadd.s32 v33, v13;
	v0 =	vadd.s32 v4, v0;
	v4 =	vld [tilespmem:s19+$0x3030]  }
0xbb: {  	v12 =	vadd.s32 v26, v12;
	v16 =	vadd.s32 v29, v13;
	v0 =	vadd.s32 v6, v0;
	v6 =	vld [tilespmem:s19+$0x3070];
	s19 =	sshra.s32 s20, $0x2  }
0xbc: {  	v12 =	vadd.s32 v18, v12;
	v16 =	vadd.s32 v22, v16;
	v13 =	vld [tilespmem:s19+$0x3040];
	v0 =	vadd.s32 v8, v0  }
0xbd: {  	v12 =	vadd.s32 v15, v12;
	v15 =	vadd.s32 v17, v16;
	v8 =	vld [tilespmem:s19+$0x3050];
	v0 =	vadd.s32 v10, v0  }
0xbe: {  	v9 =	vadd.s32 v9, v12;
	v11 =	vadd.s32 v11, v15;
	v10 =	vld [tilespmem:s19+$0x3060];
	v0 =	vadd.s32 v14, v0  }
0xbf: {  	v9 =	vadd.s32 v5, v9;
	v7 =	vadd.s32 v7, v11;
	v19 =	vld [tilespmem:s19+$0x3000];
	v0 =	vadd.s32 v4, v0  }
0xc0: {  	v25 =	vadd.s32 v2, v9;
	v27 =	vadd.s32 v3, v7;
	v5 =	vld [tilespmem:s19+$0x3010];
	v28 =	vadd.s32 v6, v0  }
0xc1: {  	v7 =	vld [tilespmem:s19+$0x3020]  }
0xc2: {  	v23 =	vld [tilespmem:s19+$0x2C40];
	v2 =	vmov v8  }
0xc3: {  	v9 =	vld [tilespmem:s19+$0x2C50];
	v3 =	vmov v10  }
0xc4: {  	v11 =	vld [tilespmem:s19+$0x2C60]  }
0xc5: {  	v24 =	vld [tilespmem:s19+$0x2C00]  }
0xc6: {  	v15 =	vld [tilespmem:s19+$0x2C10]  }
0xc7: {  	v17 =	vld [tilespmem:s19+$0x2C20]  }
0xc8: {  	v31 =	vld [tilespmem:s19+$0x2840]  }
0xc9: {  	v18 =	vld [tilespmem:s19+$0x2850]  }
0xca: {  	v22 =	vld [tilespmem:s19+$0x2860]  }
0xcb: {  	v0 =	vld [tilespmem:s19+$0x2800]  }
0xcc: {  	v4 =	vld [tilespmem:s19+$0x2400]  }
0xcd: {  	v6 =	vld [tilespmem:s19+$0x2440]  }
0xce: {  	v26 =	vld [tilespmem:s19+$0x2810]  }
.Ltmp2:
0xcf: {  	v29 =	vld [tilespmem:s19+$0x2820];
	(pc) =	sbr.rel @p0 .LBB2_6-.Ltmp2, $4  }
0xd0: {  	v32 =	vld [tilespmem:s19+$0x2450]  }
0xd1: {  	v1 =	vadd.s32 v1, v4;
	v33 =	vld [tilespmem:s19+$0x2460]  }
0xd2: {  	v34 =	vld [tilespmem:s19+$0x2410];
	v1 =	vadd.s32 v6, v1  }
0xd3: {  	s20 =	sadd.s32 $0x200, s20;
	v35 =	vld [tilespmem:s19+$0x2420];
	v14 =	vadd.s32 v0, v1  }
0xd4: {  	v36 =	vld [tilespmem:s19+$0x2430]  }
0xd5: {  	v37 =	vld [tilespmem:s19+$0x2470]  }
0xd6: {  	v38 =	vld [tilespmem:s19+$0x2830]  }
0xd7: {  	v39 =	vld [tilespmem:s19+$0x2870]  }
0xd8: {  	v40 =	vld [tilespmem:s19+$0x2C30]  }
0xd9: {  	v41 =	vld [tilespmem:s19+$0x2C70]  }
0xda: {  	v42 =	vld [tilespmem:s19+$0x3030]  }
0xdb: {  	v43 =	vld [tilespmem:s19+$0x3070];
	_ =	swait.ge [sflag:s15], $0x1000  }
0xdc: {  	[sflag:s15] =	ssyncset.done $0x0  }
0xdd: {  	s19 =	simm.s32 $0xFFFFFC00;
	[sflag:s15] =	ssyncadd.s32 $0xFFFFF000  }
0xde: {  	v12 =	vld [tilespmem:s19+$0x4040]  }
0xdf: {  	v0 =	vld [tilespmem:s19+$0x4050]  }
0xe0: {  	v1 =	vld [tilespmem:s19+$0x4060]  }
0xe1: {  	v20 =	vld [tilespmem:s19+$0x4000]  }
0xe2: {  	v4 =	vld [tilespmem:s19+$0x4010]  }
0xe3: {  	v6 =	vld [tilespmem:s19+$0x4020]  }
0xe4: {  	v21 =	vld [tilespmem:s19+$0x3C40]  }
0xe5: {  	v8 =	vld [tilespmem:s19+$0x3C50]  }
0xe6: {  	v10 =	vld [tilespmem:s19+$0x3C60]  }
0xe7: {  	v30 =	vld [tilespmem:s19+$0x3C00]  }
0xe8: {  	v16 =	vadd.s32 v31, v14;
	v14 =	vld [tilespmem:s19+$0x3C10]  }
0xe9: {  	v24 =	vadd.s32 v24, v16;
	v16 =	vld [tilespmem:s19+$0x3C20]  }
0xea: {  	v24 =	vadd.s32 v23, v24;
	v23 =	vld [tilespmem:s19+$0x3840]  }
0xeb: {  	v24 =	vadd.s32 v19, v24;
	v19 =	vld [tilespmem:s19+$0x3850]  }
0xec: {  	v25 =	vadd.s32 v25, v34;
	v31 =	vld [tilespmem:s19+$0x3800];
	v24 =	vadd.s32 v13, v24  }
0xed: {  	v60 =	vld [tilespmem:s19+$0x3400];
	v27 =	vadd.s32 v27, v35;
	v25 =	vadd.s32 v32, v25;
	v28 =	vadd.s32 v28, v36  }
0xee: {  	v13 =	vld [tilespmem:s19+$0x3860];
	v27 =	vadd.s32 v33, v27;
	v25 =	vadd.s32 v26, v25;
	v28 =	vadd.s32 v37, v28  }
0xef: {  	v61 =	vadd.s32 v29, v27;
	v25 =	vadd.s32 v18, v25;
	v62 =	vadd.s32 v38, v28;
	v28 =	vld [tilespmem:s19+$0x3440]  }
0xf0: {  	v18 =	vld [tilespmem:s19+$0x3810];
	v22 =	vadd.s32 v22, v61;
	v25 =	vadd.s32 v15, v25  }
0xf1: {  	v15 =	vld [tilespmem:s19+$0x3820];
	v63 =	vadd.s32 v39, v62;
	v17 =	vadd.s32 v17, v22;
	v25 =	vadd.s32 v9, v25  }
0xf2: {  	v9 =	vld [tilespmem:s19+$0x3450];
	v22 =	vadd.s32 v40, v63;
	v11 =	vadd.s32 v11, v17;
	v5 =	vadd.s32 v5, v25  }
0xf3: {  	v17 =	vadd.s32 v41, v22;
	v22 =	vadd.s32 v7, v11;
	v11 =	vadd.s32 v24, v60;
	v7 =	vld [tilespmem:s19+$0x3460]  }
0xf4: {  	v5 =	vadd.s32 v2, v5;
	v17 =	vadd.s32 v42, v17;
	v24 =	vadd.s32 v28, v11;
	v11 =	vld [tilespmem:s19+$0x3410]  }
0xf5: {  	s20 =	simm.s32 $0xFFFFF200;
	v3 =	vadd.s32 v3, v22;
	v2 =	vadd.s32 v43, v17;
	v17 =	vld [tilespmem:s19+$0x3420];
	v22 =	vadd.s32 v31, v24  }
.LBB2_8:
0xf6: {  	p0 =	sne.s32 s20, $0xFFFFFE00;
	v24 =	vld [tilespmem:s19+$0x3430];
	v22 =	vadd.s32 v23, v22  }
0xf7: {  	v23 =	vld [tilespmem:s19+$0x3470];
	v22 =	vadd.s32 v30, v22  }
0xf8: {  	v25 =	vld [tilespmem:s19+$0x3830];
	v21 =	vadd.s32 v21, v22  }
0xf9: {  	v22 =	vld [tilespmem:s19+$0x3870];
	v20 =	vadd.s32 v20, v21  }
0xfa: {  	v21 =	vld [tilespmem:s19+$0x3C30];
	v26 =	vadd.s32 v12, v20  }
0xfb: {  	v5 =	vadd.s32 v5, v11;
	v3 =	vadd.s32 v3, v17;
	v2 =	vadd.s32 v2, v24;
	v11 =	vld [tilespmem:s19+$0x3C70]  }
0xfc: {  	v5 =	vadd.s32 v9, v5;
	v3 =	vadd.s32 v7, v3;
	v2 =	vadd.s32 v23, v2;
	v7 =	vld [tilespmem:s19+$0x4030]  }
0xfd: {  	v5 =	vadd.s32 v18, v5;
	v3 =	vadd.s32 v15, v3;
	v2 =	vadd.s32 v25, v2;
	v9 =	vld [tilespmem:s19+$0x4070];
	s19 =	sshra.s32 s20, $0x2  }
0xfe: {  	v5 =	vadd.s32 v19, v5;
	v3 =	vadd.s32 v13, v3;
	v12 =	vld [tilespmem:s19+$0x4040];
	v2 =	vadd.s32 v22, v2  }
0xff: {  	v5 =	vadd.s32 v14, v5;
	v3 =	vadd.s32 v16, v3;
	v13 =	vld [tilespmem:s19+$0x4050];
	v2 =	vadd.s32 v21, v2  }
0x100: {  	v5 =	vadd.s32 v8, v5;
	v3 =	vadd.s32 v10, v3;
	v14 =	vld [tilespmem:s19+$0x4060];
	v2 =	vadd.s32 v11, v2  }
0x101: {  	v5 =	vadd.s32 v4, v5;
	v3 =	vadd.s32 v6, v3;
	v20 =	vld [tilespmem:s19+$0x4000];
	v2 =	vadd.s32 v7, v2  }
0x102: {  	v5 =	vadd.s32 v0, v5;
	v3 =	vadd.s32 v1, v3;
	v4 =	vld [tilespmem:s19+$0x4010];
	v2 =	vadd.s32 v9, v2  }
0x103: {  	v6 =	vld [tilespmem:s19+$0x4020]  }
0x104: {  	v21 =	vld [tilespmem:s19+$0x3C40];
	v0 =	vmov v13  }
0x105: {  	v8 =	vld [tilespmem:s19+$0x3C50];
	v1 =	vmov v14  }
0x106: {  	v10 =	vld [tilespmem:s19+$0x3C60]  }
0x107: {  	v30 =	vld [tilespmem:s19+$0x3C00]  }
0x108: {  	v14 =	vld [tilespmem:s19+$0x3C10]  }
0x109: {  	v16 =	vld [tilespmem:s19+$0x3C20]  }
0x10a: {  	v23 =	vld [tilespmem:s19+$0x3840]  }
0x10b: {  	v19 =	vld [tilespmem:s19+$0x3850]  }
0x10c: {  	v13 =	vld [tilespmem:s19+$0x3860]  }
0x10d: {  	v22 =	vld [tilespmem:s19+$0x3800]  }
0x10e: {  	v7 =	vld [tilespmem:s19+$0x3400]  }
0x10f: {  	v17 =	vld [tilespmem:s19+$0x3440]  }
0x110: {  	v18 =	vld [tilespmem:s19+$0x3810]  }
.Ltmp3:
0x111: {  	v15 =	vld [tilespmem:s19+$0x3820];
	(pc) =	sbr.rel @p0 .LBB2_8-.Ltmp3, $4  }
0x112: {  	v9 =	vld [tilespmem:s19+$0x3450]  }
0x113: {  	v24 =	vadd.s32 v26, v7;
	v7 =	vld [tilespmem:s19+$0x3460]  }
0x114: {  	v11 =	vld [tilespmem:s19+$0x3410];
	v24 =	vadd.s32 v17, v24  }
0x115: {  	s20 =	sadd.s32 $0x200, s20;
	v17 =	vld [tilespmem:s19+$0x3420];
	v22 =	vadd.s32 v22, v24  }
0x116: {  	v24 =	vld [tilespmem:s19+$0x3430];
	v22 =	vadd.s32 v23, v22  }
0x117: {  	v58 =	vld [tilespmem:s19+$0x3470];
	v22 =	vadd.s32 v30, v22  }
0x118: {  	v25 =	vld [tilespmem:s19+$0x3830];
	v21 =	vadd.s32 v21, v22  }
0x119: {  	v59 =	vld [tilespmem:s19+$0x3870];
	v20 =	vadd.s32 v20, v21;
	v5 =	vadd.s32 v5, v11  }
0x11a: {  	v60 =	vld [tilespmem:s19+$0x3C30];
	v12 =	vadd.s32 v12, v20;
	v3 =	vadd.s32 v3, v17;
	v5 =	vadd.s32 v9, v5  }
0x11b: {  	v61 =	vld [tilespmem:s19+$0x3C70];
	v2 =	vadd.s32 v2, v24;
	v3 =	vadd.s32 v7, v3;
	v5 =	vadd.s32 v18, v5  }
0x11c: {  	v62 =	vld [tilespmem:s19+$0x4030];
	v2 =	vadd.s32 v58, v2;
	v3 =	vadd.s32 v15, v3;
	v5 =	vadd.s32 v19, v5  }
0x11d: {  	v63 =	vld [tilespmem:s19+$0x4070];
	v2 =	vadd.s32 v25, v2;
	v3 =	vadd.s32 v13, v3;
	v5 =	vadd.s32 v14, v5  }
0x11e: {  	v2 =	vadd.s32 v59, v2;
	v3 =	vadd.s32 v16, v3;
	v5 =	vadd.s32 v8, v5  }
0x11f: {  	v2 =	vadd.s32 v60, v2;
	v3 =	vadd.s32 v10, v3;
	v4 =	vadd.s32 v4, v5  }
0x120: {  	v2 =	vadd.s32 v61, v2;
	v3 =	vadd.s32 v6, v3;
	v0 =	vadd.s32 v0, v4  }
0x121: {  	v2 =	vadd.s32 v62, v2;
	v1 =	vadd.s32 v1, v3;
	v0 =	vadd.s32 v12, v0  }
0x122: {  	s18 =	sadd.s32 $0x1, s18;
	v2 =	vadd.s32 v63, v2;
	v0 =	vadd.s32 v1, v0  }
0x123: {  	p0 =	sne.s32 s18, s8;
	v0 =	vadd.s32 v2, v0  }
.Ltmp4:
0x124: {  	[tilespmem:$0x4000] =	vst v0;
	(pc) =	sbr.rel @p0 .LBB2_1-.Ltmp4, $4  }
0x125: {  	[hbm4b:s7+s2] =	stream.linear.scatter [tilespmem:s16], [sflag:$0x5], $0x80, $0x38;
	[tilespmem:$0x4080] =	vst v63  }
0x126: {  	_ =	swait.ge [sflag:s17], $0x80  }
0x127: {  	[sflag:s17] =	ssyncset.done $0x0  }
0x128: {  	[sflag:s17] =	ssyncadd.s32 $0xFFFFFF80  }
0x129: {  	_ =	sfence.sel $0x180000  }
0x12a: {  	[bflag:$0x0] =	sbarrier.arrive $0xFFFF  }
0x12b: {  	p0 =	sne.s32 s0, $0x0;
	_ =	strace $0x90000047  }
0x12c: {  	s0 =	sadd.s32 @!p0 $0x100000, s1;
	[bflag:$0x2] =	sbarrier.arrive $0xFFFF  }
0x12d: {  	[sflag:s0] =	ssyncadd.tile.s32 @!p0 $0x1;
	_ =	shalt  }
.Lfunc_end2:
_tile_overlayer_lowered:
.L_overlay_start_2:
0x12e: {  	(tag) =	ssettag $0x2  }
0x12f: {  	s0 =	rddreg [dreg:$0x0];
	s2 =	stileid.u32  }
0x130: {  	s1 =	rddreg [dreg:$0x1];
	p0 =	sne.s32 s2, $0x0  }
0x131: {  	s3 =	rddreg [dreg:$0x2];
	[bflag:$0x3] =	sbarrier.arrive $0xFFFF;
	s2 =	simm.s32 @!p0 $0x1C05  }
0x132: {  	[timem:s3], [sflag:s2] =	dma.local @!p0 [hbm:s0], s1  }
0x133: {  	s0 =	simm.s32 @!p0 $0x5  }
0x134: {  	_ =	swait.ge @!p0 [sflag:s0], s1  }
0x135: {  	s1 =	ssub.s32 @!p0 $0x0, s1;
	[sflag:s0] =	ssyncset.done @!p0 $0x0  }
0x136: {  	[sflag:s0] =	ssyncadd.s32 @!p0 s1  }
0x137: {  	[bflag:$0x3] =	sbarrier.arrive $0xFFFF  }
0x138: {  	_ =	shalt  }

</sc_bundles>
